<compile_context>
chip_gen: v7x
topology: tpu7x:2x2x1
jax: 0.10.2.dev20260603
libtpu: 0.0.44.dev20260713+nightly
codegen_flags: <defaults>
</compile_context>

<pallas_src>
import functools

import jax
import jax.numpy as jnp
from jax import lax
from jax.experimental import pallas as pl
from jax.experimental.pallas import tpu as pltpu
from jax.experimental.pallas import tpu_sc as plsc

N = 10000
E = 320000
H = 128
T = 512
G = 256

NC = 2
NS = 16
HH = H // NC
CH = 80
NCH = 250
EPTP = NCH * CH
EP = NS * EPTP
NP = 10240
RPT = NP // NS
ZCH = ((0, 128), (128, 128), (256, 128), (384, 128), (512, 128))

def _build_sc_msg():
    mesh = plsc.VectorSubcoreMesh(
        core_axis_name="c", subcore_axis_name="s",
        num_cores=NC, num_subcores=NS,
    )

    @functools.partial(
        pl.kernel,
        out_type=jax.ShapeDtypeStruct((NC, NP, HH), jnp.float32),
        mesh=mesh,
        scratch_types=[
            pltpu.VMEM((N,), jnp.int32),
            pltpu.VMEM((NCH, CH), jnp.int32),
            pltpu.VMEM((NCH, CH), jnp.int32),
            pltpu.VMEM((NCH, CH), jnp.int32),
            pltpu.VMEM((CH, HH), jnp.float32),
            pltpu.VMEM((CH, HH), jnp.float32),
            pltpu.VMEM((128, HH), jnp.float32),
            pltpu.VMEM_SHARED((NP, HH), jnp.float32),
            pltpu.SemaphoreType.DMA,
            pltpu.SemaphoreType.DMA,
            pltpu.SemaphoreType.DMA,
            pltpu.SemaphoreType.DMA,
        ],
        compiler_params=pltpu.CompilerParams(
            needs_layout_passes=False, use_tc_tiling_on_sc=False),
    )
    def sc_msg(xs_hbm, ep_hbm, emb_hbm, out_hbm,
               xs_v, ep_v, dst_v, t_v, rows0, rows1, zbuf, msg_sh,
               gsem0, gsem1, ssem0, ssem1):
        c = lax.axis_index("c")
        s = lax.axis_index("s")

        def z_body(r, _):
            for k in range(HH // 16):
                zbuf[r, pl.ds(k * 16, 16)] = jnp.zeros((16,), jnp.float32)
            return 0

        lax.fori_loop(0, 128, z_body, 0)
        for off, sz in ZCH:
            pltpu.sync_copy(zbuf.at[pl.ds(0, sz)],
                            msg_sh.at[pl.ds(s * RPT + off, sz)])
        plsc.subcore_barrier()

        pltpu.sync_copy(xs_hbm, xs_v)
        pltpu.sync_copy(ep_hbm.at[s], ep_v)

        def t_body(r, _):
            for c5 in range(CH // 16):
                pk16 = ep_v[r, pl.ds(c5 * 16, 16)]
                src16 = jnp.bitwise_and(pk16, 0xFFFF)
                dst16 = lax.shift_right_logical(pk16, 16)
                t16 = plsc.load_gather(xs_v, [src16])
                t_v[r, pl.ds(c5 * 16, 16)] = t16
                dst_v[r, pl.ds(c5 * 16, 16)] = dst16
            return 0

        lax.fori_loop(0, NCH, t_body, 0)

        def g_desc(j, buf, sem):
            return pltpu.make_async_copy(
                emb_hbm.at[c].at[t_v.at[j]], buf, sem)

        def s_desc(j, buf, sem):
            return pltpu.make_async_copy(
                buf, msg_sh.at[dst_v.at[j]], sem)

        def g_start(j, buf, sem):
            pltpu.async_copy(emb_hbm.at[c].at[t_v.at[j]], buf, sem)

        def s_start(j, buf, sem):
            pltpu.async_copy(buf, msg_sh.at[dst_v.at[j]], sem, add=True)

        g_start(0, rows0, gsem0)

        def e_body(jj, _):
            j0 = jj * 2
            j1 = j0 + 1
            g_desc(j0, rows0, gsem0).wait()

            @pl.when(jj > 0)
            def _():
                s_desc(j0 - 1, rows1, ssem1).wait()

            s_start(j0, rows0, ssem0)
            g_start(j1, rows1, gsem1)

            g_desc(j1, rows1, gsem1).wait()
            s_desc(j0, rows0, ssem0).wait()

            @pl.when(j1 + 1 < NCH)
            def _():
                g_start(j1 + 1, rows0, gsem0)

            s_start(j1, rows1, ssem1)
            return 0

        lax.fori_loop(0, NCH // 2, e_body, 0)
        s_desc(NCH - 1, rows1, ssem1).wait()
        plsc.subcore_barrier()

        for off, sz in ZCH:
            start = s * RPT + off
            pltpu.sync_copy(msg_sh.at[pl.ds(start, sz)],
                            zbuf.at[pl.ds(0, sz)])
            pltpu.sync_copy(zbuf.at[pl.ds(0, sz)],
                            out_hbm.at[c].at[pl.ds(start, sz)])

    return sc_msg


_SC_MSG_CACHE = []


def _sc_msg(*args):
    if not _SC_MSG_CACHE:
        _SC_MSG_CACHE.append(_build_sc_msg())
    return _SC_MSG_CACHE[0](*args)


BLK = 1000
NB = N // BLK
_F32 = jnp.float32
_PREC = lax.Precision.DEFAULT


def _dot_t(a, b):
    return lax.dot_general(a, b, (((1,), (1,)), ((), ())),
                           precision=_PREC, preferred_element_type=_F32)


def _dot(a, b):
    return lax.dot_general(a, b, (((1,), (0,)), ((), ())),
                           precision=_PREC, preferred_element_type=_F32)


def _dot_c0(a, b):
    return lax.dot_general(a, b, (((0,), (0,)), ((), ())),
                           precision=_PREC, preferred_element_type=_F32)


def _tc_pre_body(xs_ref, emb_ref, whh_ref, embf_ref, ghf_ref):
    emb = emb_ref[...]
    whh = whh_ref[...]

    def blk(i, _):
        ds = pl.ds(i * BLK, BLK)
        xs = xs_ref[ds, :]
        ohe = (lax.broadcasted_iota(jnp.int32, (BLK, T), 1) == xs
               ).astype(_F32)
        embb = _dot(ohe, emb)
        embf_ref[ds, :] = embb
        ghf_ref[ds, :] = _dot_t(embb, whh)
        return 0

    lax.fori_loop(0, NB, blk, 0)


def _tc_body(msg_ref, embf_ref, ghf_ref, b_ref, bn_ref, emb_ref, wih_ref,
             w1_ref, w2_ref, b2_ref, wq_ref, bq_ref, wt_ref, out_ref,
             h_sc, wl_sc, wg_sc):
    emb = emb_ref[...]
    wih = wih_ref[...]
    wl_sc[...] = jnp.zeros((G, H), _F32)
    wg_sc[...] = jnp.zeros((G, H), _F32)

    def pass1(i, _):
        ds = pl.ds(i * BLK, BLK)
        embb = embf_ref[ds, :]
        msgb = jnp.concatenate(
            [msg_ref[0, ds, :], msg_ref[1, ds, :]], axis=1)
        gi = _dot_t(msgb, wih)
        gh = ghf_ref[ds, :]
        r = jax.nn.sigmoid(gi[:, :H] + gh[:, :H])
        z = jax.nn.sigmoid(gi[:, H:2 * H] + gh[:, H:2 * H])
        n = jnp.tanh(gi[:, 2 * H:] + r * gh[:, 2 * H:])
        hb = (1.0 - z) * n + z * embb
        h_sc[ds, :] = hb
        b = b_ref[ds, :]
        ohb = (lax.broadcasted_iota(jnp.int32, (BLK, G), 1) == b
               ).astype(_F32)
        lastm = (b != bn_ref[ds, :]).astype(_F32)
        wl_sc[...] += _dot_c0(ohb * lastm, hb)
        return 0

    lax.fori_loop(0, NB, pass1, 0)
    wl = wl_sc[...]

    def pass2(i, _):
        ds = pl.ds(i * BLK, BLK)
        hb = h_sc[ds, :]
        b = b_ref[ds, :]
        ohb = (lax.broadcasted_iota(jnp.int32, (BLK, G), 1) == b
               ).astype(_F32)
        wgr = _dot(ohb, wl)
        q1 = _dot_t(wgr, w1_ref[...])
        q2 = _dot_t(hb, w2_ref[...]) + b2_ref[...]
        alpha = _dot_t(jax.nn.sigmoid(q1 + q2), wq_ref[...]) + bq_ref[...]
        a = alpha * hb
        wg_sc[...] += _dot_c0(ohb, a)
        return 0

    lax.fori_loop(0, NB, pass2, 0)
    wcat = jnp.concatenate([wl, wg_sc[...]], axis=1)
    wv = _dot_t(wcat, wt_ref[...])
    out_ref[...] = _dot_t(wv, emb)


@jax.jit
def _run(xs, ep, batch, bnext, embedding, gru_w_ih, gru_w_hh,
         W1, W2, b2, Wq, bq, Wt):
    emb2 = jnp.stack([embedding[:, :HH], embedding[:, HH:]])
    msg2 = _sc_msg(xs, ep, emb2)
    embf, ghf = pl.pallas_call(
        _tc_pre_body,
        out_shape=(jax.ShapeDtypeStruct((N, H), jnp.float32),
                   jax.ShapeDtypeStruct((N, 3 * H), jnp.float32)),
    )(xs.reshape(N, 1), embedding, gru_w_hh)
    return pl.pallas_call(
        _tc_body,
        out_shape=jax.ShapeDtypeStruct((G, T), jnp.float32),
        scratch_shapes=[
            pltpu.VMEM((N, H), jnp.float32),
            pltpu.VMEM((G, H), jnp.float32),
            pltpu.VMEM((G, H), jnp.float32),
        ],
    )(msg2, embf, ghf, batch.reshape(N, 1), bnext.reshape(N, 1),
      embedding, gru_w_ih, W1, W2, b2.reshape(1, H), Wq,
      bq.reshape(1, H), Wt)


def kernel(x, edge_index, batch, embedding, gru_w_ih, gru_w_hh,
           W1, W2, b2, Wq, bq, Wt):
    xs = x[:, 0].astype(jnp.int32)
    pad = jnp.zeros((EP - E,), jnp.int32)
    src = jnp.concatenate([edge_index[0].astype(jnp.int32), pad])
    dst = jnp.concatenate([edge_index[1].astype(jnp.int32), pad + N])
    ep = (src + dst * 65536).reshape(NS, NCH, CH)
    bnext = jnp.concatenate(
        [batch[1:], jnp.full((1,), G, batch.dtype)]).astype(jnp.int32)
    return _run(xs, ep, batch.astype(jnp.int32), bnext,
                embedding, gru_w_ih, gru_w_hh, W1, W2, b2, Wq, bq, Wt)

# --- scband reference (transcript-rebuilt; emitter-appended) ---
"""Pipeline reference for scband-gated-gnn-25074019074619 (READ-ONLY COPY).

The authoritative reference and input builder live on the scoring server;
editing this copy changes nothing except your own understanding.
"""

import jax, jax.numpy as jnp
import numpy as np

N = 10000
E = 320000
H = 128
NUM_TOOLS = 512
G = 256


def setup_inputs(seed: int = 0) -> dict:
    key = jax.random.key(seed)
    ks = jax.random.split(key, 12)
    x = jax.random.randint(ks[0], (N, 1), 0, NUM_TOOLS)
    edge_index = jax.random.randint(ks[1], (2, E), 0, N)
    batch = jnp.sort(jax.random.randint(ks[2], (N,), 0, G))
    s = 1.0 / np.sqrt(H)
    embedding = jax.random.uniform(ks[3], (NUM_TOOLS, H), minval=-s, maxval=s, dtype=jnp.float32)
    gru_w_ih = jax.random.uniform(ks[4], (3 * H, H), minval=-s, maxval=s, dtype=jnp.float32)
    gru_w_hh = jax.random.uniform(ks[5], (3 * H, H), minval=-s, maxval=s, dtype=jnp.float32)
    W1 = jax.random.uniform(ks[6], (H, H), minval=-s, maxval=s, dtype=jnp.float32)
    W2 = jax.random.uniform(ks[7], (H, H), minval=-s, maxval=s, dtype=jnp.float32)
    b2 = jax.random.uniform(ks[8], (H,), minval=-s, maxval=s, dtype=jnp.float32)
    Wq = jax.random.uniform(ks[9], (H, H), minval=-s, maxval=s, dtype=jnp.float32)
    bq = jax.random.uniform(ks[10], (H,), minval=-s, maxval=s, dtype=jnp.float32)
    Wt = jax.random.uniform(ks[11], (H, 2 * H), minval=-s, maxval=s, dtype=jnp.float32)
    return {"x": x, "edge_index": edge_index, "batch": batch, "embedding": embedding,
            "gru_w_ih": gru_w_ih, "gru_w_hh": gru_w_hh, "W1": W1, "W2": W2, "b2": b2,
            "Wq": Wq, "bq": bq, "Wt": Wt}


def reference(x, edge_index, batch, embedding, gru_w_ih, gru_w_hh, W1, W2, b2, Wq, bq, Wt):
    # embedding lookup (dropout2d is identity in eval mode)
    emb = jnp.take(embedding, x[:, 0], axis=0)
    # GatedGraphConv: aggregate x_j (source features) to target nodes with sum
    src = edge_index[0]
    dst = edge_index[1]
    msg = jax.ops.segment_sum(jnp.take(emb, src, axis=0), dst, num_segments=N)
    # GRUCell (bias=False): input=msg, hidden=emb
    gi = msg @ gru_w_ih.T
    gh = emb @ gru_w_hh.T
    i_r, i_z, i_n = jnp.split(gi, 3, axis=1)
    h_r, h_z, h_n = jnp.split(gh, 3, axis=1)
    r = jax.nn.sigmoid(i_r + h_r)
    z = jax.nn.sigmoid(i_z + h_z)
    n = jnp.tanh(i_n + r * h_n)
    h = (1.0 - z) * n + z * emb
    # dropout_one is identity in eval mode
    # workflow reps: last node of each graph (batch is sorted)
    idx = jnp.arange(h.shape[0])
    last_idx = jax.ops.segment_max(idx, batch, num_segments=G)
    w_l = jnp.take(h, last_idx, axis=0)
    w_g_r = jnp.take(w_l, batch, axis=0)
    q1 = w_g_r @ W1.T
    q2 = h @ W2.T + b2
    alpha = jax.nn.sigmoid(q1 + q2) @ Wq.T + bq
    a = alpha * h
    w_g = jax.ops.segment_sum(a, batch, num_segments=G)
    w = jnp.concatenate([w_l, w_g], axis=1) @ Wt.T
    logits = w @ embedding.T
    return logits

if __name__ == "__main__":
    import jax
    _d = setup_inputs()
    print(jax.jit(kernel)(*tuple(_d.values())))

</pallas_src>

<mosaic_0001>
#map = affine_map<(d0, d1) -> (0)>
#map1 = affine_map<(d0, d1) -> (0, 0, 0)>
module attributes {stable_mosaic.version = 14 : i64} {
  func.func @sc_msg(%arg0: i32, %arg1: i32, %arg2: memref<10000xi32, #tpu.memory_space<hbm>>, %arg3: memref<16x250x80xi32, #tpu.memory_space<hbm>>, %arg4: memref<2x512x64xf32, #tpu.memory_space<hbm>>, %arg5: memref<2x10240x64xf32, #tpu.memory_space<hbm>>, %arg6: memref<10000xi32, #tpu.memory_space<vmem>>, %arg7: memref<250x80xi32, #tpu.memory_space<vmem>>, %arg8: memref<250x80xi32, #tpu.memory_space<vmem>>, %arg9: memref<250x80xi32, #tpu.memory_space<vmem>>, %arg10: memref<80x64xf32, #tpu.memory_space<vmem>>, %arg11: memref<80x64xf32, #tpu.memory_space<vmem>>, %arg12: memref<128x64xf32, #tpu.memory_space<vmem>>, %arg13: memref<10240x64xf32, #tpu.memory_space<vmem_shared>>, %arg14: memref<!tpu.dma_semaphore, #tpu.memory_space<semaphore_mem>>, %arg15: memref<!tpu.dma_semaphore, #tpu.memory_space<semaphore_mem>>, %arg16: memref<!tpu.dma_semaphore, #tpu.memory_space<semaphore_mem>>, %arg17: memref<!tpu.dma_semaphore, #tpu.memory_space<semaphore_mem>>) attributes {dimension_semantics = [#tpu.dimension_semantics<core_parallel>, #tpu.dimension_semantics<subcore_parallel>], iteration_bounds = array<i64: 2, 16>, scalar_prefetch = 0 : i64, scratch_operands = 12 : i64, tpu.core_type = #tpu.core_type<sc_vector_subcore>, window_params = [{transform_indices = #map}, {transform_indices = #map1}, {transform_indices = #map1}, {transform_indices = #map1}]} {
    %scan3A = arith.constant 0 : i32
    %scan3A_0 = arith.constant 0 : i32
    %scan3A_1 = arith.constant 128 : i32
    %scan3A_2 = arith.addi %scan3A_0, %scan3A_1 : i32
    %scan3A_3 = arith.constant 1 : i32
    %scan3A_4 = scf.for %scan3A_75 = %scan3A_0 to %scan3A_2 step %scan3A_3 iter_args(%scan3A_76 = %scan3A) -> (i32)  : i32 {
      %broadcast_in_dim3A = arith.constant 0.000000e+00 : f32
      %broadcast_in_dim3A_77 = vector.broadcast %broadcast_in_dim3A : f32 to vector<16xf32>
      %swap3A = arith.index_cast %scan3A_75 : i32 to index
      %swap3A_78 = arith.constant 0 : index
      %swap3A_79 = tpu.vector_load %arg12[%swap3A, %swap3A_78] {strides = array<i32>} : memref<128x64xf32, #tpu.memory_space<vmem>>, vector<16xf32>,
      tpu.vector_store %arg12[%swap3A, %swap3A_78], %broadcast_in_dim3A_77 {strides = array<i32>} : memref<128x64xf32, #tpu.memory_space<vmem>>, vector<16xf32>,
      %broadcast_in_dim3A_80 = arith.constant 0.000000e+00 : f32
      %broadcast_in_dim3A_81 = vector.broadcast %broadcast_in_dim3A_80 : f32 to vector<16xf32>
      %swap3A_82 = arith.index_cast %scan3A_75 : i32 to index
      %swap3A_83 = arith.constant 16 : index
      %swap3A_84 = tpu.vector_load %arg12[%swap3A_82, %swap3A_83] {strides = array<i32>} : memref<128x64xf32, #tpu.memory_space<vmem>>, vector<16xf32>,
      tpu.vector_store %arg12[%swap3A_82, %swap3A_83], %broadcast_in_dim3A_81 {strides = array<i32>} : memref<128x64xf32, #tpu.memory_space<vmem>>, vector<16xf32>,
      %broadcast_in_dim3A_85 = arith.constant 0.000000e+00 : f32
      %broadcast_in_dim3A_86 = vector.broadcast %broadcast_in_dim3A_85 : f32 to vector<16xf32>
      %swap3A_87 = arith.index_cast %scan3A_75 : i32 to index
      %swap3A_88 = arith.constant 32 : index
      %swap3A_89 = tpu.vector_load %arg12[%swap3A_87, %swap3A_88] {strides = array<i32>} : memref<128x64xf32, #tpu.memory_space<vmem>>, vector<16xf32>,
      tpu.vector_store %arg12[%swap3A_87, %swap3A_88], %broadcast_in_dim3A_86 {strides = array<i32>} : memref<128x64xf32, #tpu.memory_space<vmem>>, vector<16xf32>,
      %broadcast_in_dim3A_90 = arith.constant 0.000000e+00 : f32
      %broadcast_in_dim3A_91 = vector.broadcast %broadcast_in_dim3A_90 : f32 to vector<16xf32>
      %swap3A_92 = arith.index_cast %scan3A_75 : i32 to index
      %swap3A_93 = arith.constant 48 : index
      %swap3A_94 = tpu.vector_load %arg12[%swap3A_92, %swap3A_93] {strides = array<i32>} : memref<128x64xf32, #tpu.memory_space<vmem>>, vector<16xf32>,
      tpu.vector_store %arg12[%swap3A_92, %swap3A_93], %broadcast_in_dim3A_91 {strides = array<i32>} : memref<128x64xf32, #tpu.memory_space<vmem>>, vector<16xf32>,
      %scan3A_95 = arith.constant 0 : i32
      scf.yield %scan3A_95 : i32
    }
    %scan3A_5 = arith.constant 128 : i32
    %mul3A = arith.constant 640 : i32
    %mul3A_6 = arith.muli %arg1, %mul3A : i32
    %add3A = arith.constant 0 : i32
    %add3A_7 = arith.addi %mul3A_6, %add3A : i32
    "tpu.region"() ({
      %run_scoped3A = tpu.sem_alloc : memref<!tpu.dma_semaphore, #tpu.memory_space<semaphore_mem>>
      %dma_start3A_75 = arith.constant 0 : i32
      %dma_start3A_76 = arith.constant 0 : i32
      %dma_start3A_77 = tpu.memref_slice %arg12[%dma_start3A_75, %dma_start3A_76] : memref<128x64xf32, #tpu.memory_space<vmem>> -> memref<128x64xf32, #tpu.memory_space<vmem>>
      %dma_start3A_78 = arith.constant 0 : i32
      %dma_start3A_79 = tpu.memref_slice %arg13[%add3A_7, %dma_start3A_78] : memref<10240x64xf32, #tpu.memory_space<vmem_shared>> -> memref<128x64xf32, #tpu.memory_space<vmem_shared>>
      %dma_start3A_80 = arith.constant 0 : i32
      %dma_start3A_81 = tpu.memref_slice %arg13[%add3A_7, %dma_start3A_80] : memref<10240x64xf32, #tpu.memory_space<vmem_shared>> -> memref<128x64xf32, #tpu.memory_space<vmem_shared>>
      %dma_start3A_82 = arith.constant 0 : i32
      %dma_start3A_83 = arith.constant 0 : i32
      %dma_start3A_84 = tpu.memref_slice %arg12[%dma_start3A_82, %dma_start3A_83] : memref<128x64xf32, #tpu.memory_space<vmem>> -> memref<128x64xf32, #tpu.memory_space<vmem>>
      tpu.enqueue_dma source(%dma_start3A_84 : memref<128x64xf32, #tpu.memory_space<vmem>>) target(%dma_start3A_81 : memref<128x64xf32, #tpu.memory_space<vmem_shared>>) target_semaphore(%run_scoped3A : memref<!tpu.dma_semaphore, #tpu.memory_space<semaphore_mem>>)
      %dma_wait3A_85 = arith.constant 0 : i32
      %dma_wait3A_86 = arith.constant 0 : i32
      %dma_wait3A_87 = tpu.memref_slice %arg12[%dma_wait3A_85, %dma_wait3A_86] : memref<128x64xf32, #tpu.memory_space<vmem>> -> memref<128x64xf32, #tpu.memory_space<vmem>>
      %dma_wait3A_88 = arith.constant 0 : i32
      %dma_wait3A_89 = tpu.memref_slice %arg13[%add3A_7, %dma_wait3A_88] : memref<10240x64xf32, #tpu.memory_space<vmem_shared>> -> memref<128x64xf32, #tpu.memory_space<vmem_shared>>
      %dma_wait3A_90 = arith.constant 0 : i32
      %dma_wait3A_91 = tpu.memref_slice %arg13[%add3A_7, %dma_wait3A_90] : memref<10240x64xf32, #tpu.memory_space<vmem_shared>> -> memref<128x64xf32, #tpu.memory_space<vmem_shared>>
      %dma_wait3A_92 = arith.constant 0 : i32
      %dma_wait3A_93 = arith.constant 0 : i32
      %dma_wait3A_94 = tpu.memref_slice %arg12[%dma_wait3A_92, %dma_wait3A_93] : memref<128x64xf32, #tpu.memory_space<vmem>> -> memref<128x64xf32, #tpu.memory_space<vmem>>
      tpu.wait_dma2 semaphore(%run_scoped3A : memref<!tpu.dma_semaphore, #tpu.memory_space<semaphore_mem>>) src(%dma_wait3A_94 : memref<128x64xf32, #tpu.memory_space<vmem>>) dst(%dma_wait3A_91 : memref<128x64xf32, #tpu.memory_space<vmem_shared>>)
      tpu.yield
    }) : () -> ()
    %mul3A_8 = arith.constant 640 : i32
    %mul3A_9 = arith.muli %arg1, %mul3A_8 : i32
    %add3A_10 = arith.constant 128 : i32
    %add3A_11 = arith.addi %mul3A_9, %add3A_10 : i32
    "tpu.region"() ({
      %run_scoped3A = tpu.sem_alloc : memref<!tpu.dma_semaphore, #tpu.memory_space<semaphore_mem>>
      %dma_start3A_75 = arith.constant 0 : i32
      %dma_start3A_76 = arith.constant 0 : i32
      %dma_start3A_77 = tpu.memref_slice %arg12[%dma_start3A_75, %dma_start3A_76] : memref<128x64xf32, #tpu.memory_space<vmem>> -> memref<128x64xf32, #tpu.memory_space<vmem>>
      %dma_start3A_78 = arith.constant 0 : i32
      %dma_start3A_79 = tpu.memref_slice %arg13[%add3A_11, %dma_start3A_78] : memref<10240x64xf32, #tpu.memory_space<vmem_shared>> -> memref<128x64xf32, #tpu.memory_space<vmem_shared>>
      %dma_start3A_80 = arith.constant 0 : i32
      %dma_start3A_81 = tpu.memref_slice %arg13[%add3A_11, %dma_start3A_80] : memref<10240x64xf32, #tpu.memory_space<vmem_shared>> -> memref<128x64xf32, #tpu.memory_space<vmem_shared>>
      %dma_start3A_82 = arith.constant 0 : i32
      %dma_start3A_83 = arith.constant 0 : i32
      %dma_start3A_84 = tpu.memref_slice %arg12[%dma_start3A_82, %dma_start3A_83] : memref<128x64xf32, #tpu.memory_space<vmem>> -> memref<128x64xf32, #tpu.memory_space<vmem>>
      tpu.enqueue_dma source(%dma_start3A_84 : memref<128x64xf32, #tpu.memory_space<vmem>>) target(%dma_start3A_81 : memref<128x64xf32, #tpu.memory_space<vmem_shared>>) target_semaphore(%run_scoped3A : memref<!tpu.dma_semaphore, #tpu.memory_space<semaphore_mem>>)
      %dma_wait3A_85 = arith.constant 0 : i32
      %dma_wait3A_86 = arith.constant 0 : i32
      %dma_wait3A_87 = tpu.memref_slice %arg12[%dma_wait3A_85, %dma_wait3A_86] : memref<128x64xf32, #tpu.memory_space<vmem>> -> memref<128x64xf32, #tpu.memory_space<vmem>>
      %dma_wait3A_88 = arith.constant 0 : i32
      %dma_wait3A_89 = tpu.memref_slice %arg13[%add3A_11, %dma_wait3A_88] : memref<10240x64xf32, #tpu.memory_space<vmem_shared>> -> memref<128x64xf32, #tpu.memory_space<vmem_shared>>
      %dma_wait3A_90 = arith.constant 0 : i32
      %dma_wait3A_91 = tpu.memref_slice %arg13[%add3A_11, %dma_wait3A_90] : memref<10240x64xf32, #tpu.memory_space<vmem_shared>> -> memref<128x64xf32, #tpu.memory_space<vmem_shared>>
      %dma_wait3A_92 = arith.constant 0 : i32
      %dma_wait3A_93 = arith.constant 0 : i32
      %dma_wait3A_94 = tpu.memref_slice %arg12[%dma_wait3A_92, %dma_wait3A_93] : memref<128x64xf32, #tpu.memory_space<vmem>> -> memref<128x64xf32, #tpu.memory_space<vmem>>
      tpu.wait_dma2 semaphore(%run_scoped3A : memref<!tpu.dma_semaphore, #tpu.memory_space<semaphore_mem>>) src(%dma_wait3A_94 : memref<128x64xf32, #tpu.memory_space<vmem>>) dst(%dma_wait3A_91 : memref<128x64xf32, #tpu.memory_space<vmem_shared>>)
      tpu.yield
    }) : () -> ()
    %mul3A_12 = arith.constant 640 : i32
    %mul3A_13 = arith.muli %arg1, %mul3A_12 : i32
    %add3A_14 = arith.constant 256 : i32
    %add3A_15 = arith.addi %mul3A_13, %add3A_14 : i32
    "tpu.region"() ({
      %run_scoped3A = tpu.sem_alloc : memref<!tpu.dma_semaphore, #tpu.memory_space<semaphore_mem>>
      %dma_start3A_75 = arith.constant 0 : i32
      %dma_start3A_76 = arith.constant 0 : i32
      %dma_start3A_77 = tpu.memref_slice %arg12[%dma_start3A_75, %dma_start3A_76] : memref<128x64xf32, #tpu.memory_space<vmem>> -> memref<128x64xf32, #tpu.memory_space<vmem>>
      %dma_start3A_78 = arith.constant 0 : i32
      %dma_start3A_79 = tpu.memref_slice %arg13[%add3A_15, %dma_start3A_78] : memref<10240x64xf32, #tpu.memory_space<vmem_shared>> -> memref<128x64xf32, #tpu.memory_space<vmem_shared>>
      %dma_start3A_80 = arith.constant 0 : i32
      %dma_start3A_81 = tpu.memref_slice %arg13[%add3A_15, %dma_start3A_80] : memref<10240x64xf32, #tpu.memory_space<vmem_shared>> -> memref<128x64xf32, #tpu.memory_space<vmem_shared>>
      %dma_start3A_82 = arith.constant 0 : i32
      %dma_start3A_83 = arith.constant 0 : i32
      %dma_start3A_84 = tpu.memref_slice %arg12[%dma_start3A_82, %dma_start3A_83] : memref<128x64xf32, #tpu.memory_space<vmem>> -> memref<128x64xf32, #tpu.memory_space<vmem>>
      tpu.enqueue_dma source(%dma_start3A_84 : memref<128x64xf32, #tpu.memory_space<vmem>>) target(%dma_start3A_81 : memref<128x64xf32, #tpu.memory_space<vmem_shared>>) target_semaphore(%run_scoped3A : memref<!tpu.dma_semaphore, #tpu.memory_space<semaphore_mem>>)
      %dma_wait3A_85 = arith.constant 0 : i32
      %dma_wait3A_86 = arith.constant 0 : i32
      %dma_wait3A_87 = tpu.memref_slice %arg12[%dma_wait3A_85, %dma_wait3A_86] : memref<128x64xf32, #tpu.memory_space<vmem>> -> memref<128x64xf32, #tpu.memory_space<vmem>>
      %dma_wait3A_88 = arith.constant 0 : i32
      %dma_wait3A_89 = tpu.memref_slice %arg13[%add3A_15, %dma_wait3A_88] : memref<10240x64xf32, #tpu.memory_space<vmem_shared>> -> memref<128x64xf32, #tpu.memory_space<vmem_shared>>
      %dma_wait3A_90 = arith.constant 0 : i32
      %dma_wait3A_91 = tpu.memref_slice %arg13[%add3A_15, %dma_wait3A_90] : memref<10240x64xf32, #tpu.memory_space<vmem_shared>> -> memref<128x64xf32, #tpu.memory_space<vmem_shared>>
      %dma_wait3A_92 = arith.constant 0 : i32
      %dma_wait3A_93 = arith.constant 0 : i32
      %dma_wait3A_94 = tpu.memref_slice %arg12[%dma_wait3A_92, %dma_wait3A_93] : memref<128x64xf32, #tpu.memory_space<vmem>> -> memref<128x64xf32, #tpu.memory_space<vmem>>
      tpu.wait_dma2 semaphore(%run_scoped3A : memref<!tpu.dma_semaphore, #tpu.memory_space<semaphore_mem>>) src(%dma_wait3A_94 : memref<128x64xf32, #tpu.memory_space<vmem>>) dst(%dma_wait3A_91 : memref<128x64xf32, #tpu.memory_space<vmem_shared>>)
      tpu.yield
    }) : () -> ()
    %mul3A_16 = arith.constant 640 : i32
    %mul3A_17 = arith.muli %arg1, %mul3A_16 : i32
    %add3A_18 = arith.constant 384 : i32
    %add3A_19 = arith.addi %mul3A_17, %add3A_18 : i32
    "tpu.region"() ({
      %run_scoped3A = tpu.sem_alloc : memref<!tpu.dma_semaphore, #tpu.memory_space<semaphore_mem>>
      %dma_start3A_75 = arith.constant 0 : i32
      %dma_start3A_76 = arith.constant 0 : i32
      %dma_start3A_77 = tpu.memref_slice %arg12[%dma_start3A_75, %dma_start3A_76] : memref<128x64xf32, #tpu.memory_space<vmem>> -> memref<128x64xf32, #tpu.memory_space<vmem>>
      %dma_start3A_78 = arith.constant 0 : i32
      %dma_start3A_79 = tpu.memref_slice %arg13[%add3A_19, %dma_start3A_78] : memref<10240x64xf32, #tpu.memory_space<vmem_shared>> -> memref<128x64xf32, #tpu.memory_space<vmem_shared>>
      %dma_start3A_80 = arith.constant 0 : i32
      %dma_start3A_81 = tpu.memref_slice %arg13[%add3A_19, %dma_start3A_80] : memref<10240x64xf32, #tpu.memory_space<vmem_shared>> -> memref<128x64xf32, #tpu.memory_space<vmem_shared>>
      %dma_start3A_82 = arith.constant 0 : i32
      %dma_start3A_83 = arith.constant 0 : i32
      %dma_start3A_84 = tpu.memref_slice %arg12[%dma_start3A_82, %dma_start3A_83] : memref<128x64xf32, #tpu.memory_space<vmem>> -> memref<128x64xf32, #tpu.memory_space<vmem>>
      tpu.enqueue_dma source(%dma_start3A_84 : memref<128x64xf32, #tpu.memory_space<vmem>>) target(%dma_start3A_81 : memref<128x64xf32, #tpu.memory_space<vmem_shared>>) target_semaphore(%run_scoped3A : memref<!tpu.dma_semaphore, #tpu.memory_space<semaphore_mem>>)
      %dma_wait3A_85 = arith.constant 0 : i32
      %dma_wait3A_86 = arith.constant 0 : i32
      %dma_wait3A_87 = tpu.memref_slice %arg12[%dma_wait3A_85, %dma_wait3A_86] : memref<128x64xf32, #tpu.memory_space<vmem>> -> memref<128x64xf32, #tpu.memory_space<vmem>>
      %dma_wait3A_88 = arith.constant 0 : i32
      %dma_wait3A_89 = tpu.memref_slice %arg13[%add3A_19, %dma_wait3A_88] : memref<10240x64xf32, #tpu.memory_space<vmem_shared>> -> memref<128x64xf32, #tpu.memory_space<vmem_shared>>
      %dma_wait3A_90 = arith.constant 0 : i32
      %dma_wait3A_91 = tpu.memref_slice %arg13[%add3A_19, %dma_wait3A_90] : memref<10240x64xf32, #tpu.memory_space<vmem_shared>> -> memref<128x64xf32, #tpu.memory_space<vmem_shared>>
      %dma_wait3A_92 = arith.constant 0 : i32
      %dma_wait3A_93 = arith.constant 0 : i32
      %dma_wait3A_94 = tpu.memref_slice %arg12[%dma_wait3A_92, %dma_wait3A_93] : memref<128x64xf32, #tpu.memory_space<vmem>> -> memref<128x64xf32, #tpu.memory_space<vmem>>
      tpu.wait_dma2 semaphore(%run_scoped3A : memref<!tpu.dma_semaphore, #tpu.memory_space<semaphore_mem>>) src(%dma_wait3A_94 : memref<128x64xf32, #tpu.memory_space<vmem>>) dst(%dma_wait3A_91 : memref<128x64xf32, #tpu.memory_space<vmem_shared>>)
      tpu.yield
    }) : () -> ()
    %mul3A_20 = arith.constant 640 : i32
    %mul3A_21 = arith.muli %arg1, %mul3A_20 : i32
    %add3A_22 = arith.constant 512 : i32
    %add3A_23 = arith.addi %mul3A_21, %add3A_22 : i32
    "tpu.region"() ({
      %run_scoped3A = tpu.sem_alloc : memref<!tpu.dma_semaphore, #tpu.memory_space<semaphore_mem>>
      %dma_start3A_75 = arith.constant 0 : i32
      %dma_start3A_76 = arith.constant 0 : i32
      %dma_start3A_77 = tpu.memref_slice %arg12[%dma_start3A_75, %dma_start3A_76] : memref<128x64xf32, #tpu.memory_space<vmem>> -> memref<128x64xf32, #tpu.memory_space<vmem>>
      %dma_start3A_78 = arith.constant 0 : i32
      %dma_start3A_79 = tpu.memref_slice %arg13[%add3A_23, %dma_start3A_78] : memref<10240x64xf32, #tpu.memory_space<vmem_shared>> -> memref<128x64xf32, #tpu.memory_space<vmem_shared>>
      %dma_start3A_80 = arith.constant 0 : i32
      %dma_start3A_81 = tpu.memref_slice %arg13[%add3A_23, %dma_start3A_80] : memref<10240x64xf32, #tpu.memory_space<vmem_shared>> -> memref<128x64xf32, #tpu.memory_space<vmem_shared>>
      %dma_start3A_82 = arith.constant 0 : i32
      %dma_start3A_83 = arith.constant 0 : i32
      %dma_start3A_84 = tpu.memref_slice %arg12[%dma_start3A_82, %dma_start3A_83] : memref<128x64xf32, #tpu.memory_space<vmem>> -> memref<128x64xf32, #tpu.memory_space<vmem>>
      tpu.enqueue_dma source(%dma_start3A_84 : memref<128x64xf32, #tpu.memory_space<vmem>>) target(%dma_start3A_81 : memref<128x64xf32, #tpu.memory_space<vmem_shared>>) target_semaphore(%run_scoped3A : memref<!tpu.dma_semaphore, #tpu.memory_space<semaphore_mem>>)
      %dma_wait3A_85 = arith.constant 0 : i32
      %dma_wait3A_86 = arith.constant 0 : i32
      %dma_wait3A_87 = tpu.memref_slice %arg12[%dma_wait3A_85, %dma_wait3A_86] : memref<128x64xf32, #tpu.memory_space<vmem>> -> memref<128x64xf32, #tpu.memory_space<vmem>>
      %dma_wait3A_88 = arith.constant 0 : i32
      %dma_wait3A_89 = tpu.memref_slice %arg13[%add3A_23, %dma_wait3A_88] : memref<10240x64xf32, #tpu.memory_space<vmem_shared>> -> memref<128x64xf32, #tpu.memory_space<vmem_shared>>
      %dma_wait3A_90 = arith.constant 0 : i32
      %dma_wait3A_91 = tpu.memref_slice %arg13[%add3A_23, %dma_wait3A_90] : memref<10240x64xf32, #tpu.memory_space<vmem_shared>> -> memref<128x64xf32, #tpu.memory_space<vmem_shared>>
      %dma_wait3A_92 = arith.constant 0 : i32
      %dma_wait3A_93 = arith.constant 0 : i32
      %dma_wait3A_94 = tpu.memref_slice %arg12[%dma_wait3A_92, %dma_wait3A_93] : memref<128x64xf32, #tpu.memory_space<vmem>> -> memref<128x64xf32, #tpu.memory_space<vmem>>
      tpu.wait_dma2 semaphore(%run_scoped3A : memref<!tpu.dma_semaphore, #tpu.memory_space<semaphore_mem>>) src(%dma_wait3A_94 : memref<128x64xf32, #tpu.memory_space<vmem>>) dst(%dma_wait3A_91 : memref<128x64xf32, #tpu.memory_space<vmem_shared>>)
      tpu.yield
    }) : () -> ()
    %barrier3A = arith.constant 0 : index
    tpu.barrier barrier_id(%barrier3A)
    "tpu.region"() ({
      %run_scoped3A = tpu.sem_alloc : memref<!tpu.dma_semaphore, #tpu.memory_space<semaphore_mem>>
      tpu.enqueue_dma source(%arg2 : memref<10000xi32, #tpu.memory_space<hbm>>) target(%arg6 : memref<10000xi32, #tpu.memory_space<vmem>>) target_semaphore(%run_scoped3A : memref<!tpu.dma_semaphore, #tpu.memory_space<semaphore_mem>>)
      tpu.wait_dma2 semaphore(%run_scoped3A : memref<!tpu.dma_semaphore, #tpu.memory_space<semaphore_mem>>) src(%arg2 : memref<10000xi32, #tpu.memory_space<hbm>>) dst(%arg6 : memref<10000xi32, #tpu.memory_space<vmem>>)
      tpu.yield
    }) : () -> ()
    "tpu.region"() ({
      %run_scoped3A = tpu.sem_alloc : memref<!tpu.dma_semaphore, #tpu.memory_space<semaphore_mem>>
      %dma_start3A_75 = arith.constant 0 : i32
      %dma_start3A_76 = arith.constant 0 : i32
      %dma_start3A_77 = tpu.memref_slice %arg3[%arg1, %dma_start3A_75, %dma_start3A_76] : memref<16x250x80xi32, #tpu.memory_space<hbm>> -> memref<1x250x80xi32, #tpu.memory_space<hbm>>
      %dma_start3A_78 = tpu.memref_squeeze %dma_start3A_77 : memref<1x250x80xi32, #tpu.memory_space<hbm>> -> memref<250x80xi32, #tpu.memory_space<hbm>>
      %dma_start3A_79 = arith.constant 0 : i32
      %dma_start3A_80 = arith.constant 0 : i32
      %dma_start3A_81 = tpu.memref_slice %arg3[%arg1, %dma_start3A_79, %dma_start3A_80] : memref<16x250x80xi32, #tpu.memory_space<hbm>> -> memref<1x250x80xi32, #tpu.memory_space<hbm>>
      %dma_start3A_82 = tpu.memref_squeeze %dma_start3A_81 : memref<1x250x80xi32, #tpu.memory_space<hbm>> -> memref<250x80xi32, #tpu.memory_space<hbm>>
      tpu.enqueue_dma source(%dma_start3A_82 : memref<250x80xi32, #tpu.memory_space<hbm>>) target(%arg7 : memref<250x80xi32, #tpu.memory_space<vmem>>) target_semaphore(%run_scoped3A : memref<!tpu.dma_semaphore, #tpu.memory_space<semaphore_mem>>)
      %dma_wait3A_83 = arith.constant 0 : i32
      %dma_wait3A_84 = arith.constant 0 : i32
      %dma_wait3A_85 = tpu.memref_slice %arg3[%arg1, %dma_wait3A_83, %dma_wait3A_84] : memref<16x250x80xi32, #tpu.memory_space<hbm>> -> memref<1x250x80xi32, #tpu.memory_space<hbm>>
      %dma_wait3A_86 = tpu.memref_squeeze %dma_wait3A_85 : memref<1x250x80xi32, #tpu.memory_space<hbm>> -> memref<250x80xi32, #tpu.memory_space<hbm>>
      %dma_wait3A_87 = arith.constant 0 : i32
      %dma_wait3A_88 = arith.constant 0 : i32
      %dma_wait3A_89 = tpu.memref_slice %arg3[%arg1, %dma_wait3A_87, %dma_wait3A_88] : memref<16x250x80xi32, #tpu.memory_space<hbm>> -> memref<1x250x80xi32, #tpu.memory_space<hbm>>
      %dma_wait3A_90 = tpu.memref_squeeze %dma_wait3A_89 : memref<1x250x80xi32, #tpu.memory_space<hbm>> -> memref<250x80xi32, #tpu.memory_space<hbm>>
      tpu.wait_dma2 semaphore(%run_scoped3A : memref<!tpu.dma_semaphore, #tpu.memory_space<semaphore_mem>>) src(%dma_wait3A_90 : memref<250x80xi32, #tpu.memory_space<hbm>>) dst(%arg7 : memref<250x80xi32, #tpu.memory_space<vmem>>)
      tpu.yield
    }) : () -> ()
    %scan3A_24 = arith.constant 0 : i32
    %scan3A_25 = arith.constant 0 : i32
    %scan3A_26 = arith.constant 250 : i32
    %scan3A_27 = arith.addi %scan3A_25, %scan3A_26 : i32
    %scan3A_28 = arith.constant 1 : i32
    %scan3A_29 = scf.for %scan3A_75 = %scan3A_25 to %scan3A_27 step %scan3A_28 iter_args(%scan3A_76 = %scan3A_24) -> (i32)  : i32 {
      %get3A = arith.index_cast %scan3A_75 : i32 to index
      %get3A_77 = arith.constant 0 : index
      %get3A_78 = tpu.vector_load %arg7[%get3A, %get3A_77] {strides = array<i32>} : memref<250x80xi32, #tpu.memory_space<vmem>>, vector<16xi32>,
      %and3A = arith.constant 65535 : i32
      %and3A_79 = vector.broadcast %and3A : i32 to vector<16xi32>
      %and3A_80 = arith.andi %get3A_78, %and3A_79 : vector<16xi32>
      %shift_right_logical3A = arith.constant 16 : i32
      %shift_right_logical3A_81 = vector.broadcast %shift_right_logical3A : i32 to vector<16xi32>
      %shift_right_logical3A_82 = arith.shrui %get3A_78, %shift_right_logical3A_81 : vector<16xi32>
      %gather3A = tpu.vector_load_idx %arg6[%and3A_80] : memref<10000xi32, #tpu.memory_space<vmem>>[vector<16xi32>], vector<16xi32>,
      %swap3A = arith.index_cast %scan3A_75 : i32 to index
      %swap3A_83 = arith.constant 0 : index
      %swap3A_84 = tpu.vector_load %arg9[%swap3A, %swap3A_83] {strides = array<i32>} : memref<250x80xi32, #tpu.memory_space<vmem>>, vector<16xi32>,
      tpu.vector_store %arg9[%swap3A, %swap3A_83], %gather3A {strides = array<i32>} : memref<250x80xi32, #tpu.memory_space<vmem>>, vector<16xi32>,
      %swap3A_85 = arith.index_cast %scan3A_75 : i32 to index
      %swap3A_86 = arith.constant 0 : index
      %swap3A_87 = tpu.vector_load %arg8[%swap3A_85, %swap3A_86] {strides = array<i32>} : memref<250x80xi32, #tpu.memory_space<vmem>>, vector<16xi32>,
      tpu.vector_store %arg8[%swap3A_85, %swap3A_86], %shift_right_logical3A_82 {strides = array<i32>} : memref<250x80xi32, #tpu.memory_space<vmem>>, vector<16xi32>,
      %get3A_88 = arith.index_cast %scan3A_75 : i32 to index
      %get3A_89 = arith.constant 16 : index
      %get3A_90 = tpu.vector_load %arg7[%get3A_88, %get3A_89] {strides = array<i32>} : memref<250x80xi32, #tpu.memory_space<vmem>>, vector<16xi32>,
      %and3A_91 = arith.constant 65535 : i32
      %and3A_92 = vector.broadcast %and3A_91 : i32 to vector<16xi32>
      %and3A_93 = arith.andi %get3A_90, %and3A_92 : vector<16xi32>
      %shift_right_logical3A_94 = arith.constant 16 : i32
      %shift_right_logical3A_95 = vector.broadcast %shift_right_logical3A_94 : i32 to vector<16xi32>
      %shift_right_logical3A_96 = arith.shrui %get3A_90, %shift_right_logical3A_95 : vector<16xi32>
      %gather3A_97 = tpu.vector_load_idx %arg6[%and3A_93] : memref<10000xi32, #tpu.memory_space<vmem>>[vector<16xi32>], vector<16xi32>,
      %swap3A_98 = arith.index_cast %scan3A_75 : i32 to index
      %swap3A_99 = arith.constant 16 : index
      %swap3A_100 = tpu.vector_load %arg9[%swap3A_98, %swap3A_99] {strides = array<i32>} : memref<250x80xi32, #tpu.memory_space<vmem>>, vector<16xi32>,
      tpu.vector_store %arg9[%swap3A_98, %swap3A_99], %gather3A_97 {strides = array<i32>} : memref<250x80xi32, #tpu.memory_space<vmem>>, vector<16xi32>,
      %swap3A_101 = arith.index_cast %scan3A_75 : i32 to index
      %swap3A_102 = arith.constant 16 : index
      %swap3A_103 = tpu.vector_load %arg8[%swap3A_101, %swap3A_102] {strides = array<i32>} : memref<250x80xi32, #tpu.memory_space<vmem>>, vector<16xi32>,
      tpu.vector_store %arg8[%swap3A_101, %swap3A_102], %shift_right_logical3A_96 {strides = array<i32>} : memref<250x80xi32, #tpu.memory_space<vmem>>, vector<16xi32>,
      %get3A_104 = arith.index_cast %scan3A_75 : i32 to index
      %get3A_105 = arith.constant 32 : index
      %get3A_106 = tpu.vector_load %arg7[%get3A_104, %get3A_105] {strides = array<i32>} : memref<250x80xi32, #tpu.memory_space<vmem>>, vector<16xi32>,
      %and3A_107 = arith.constant 65535 : i32
      %and3A_108 = vector.broadcast %and3A_107 : i32 to vector<16xi32>
      %and3A_109 = arith.andi %get3A_106, %and3A_108 : vector<16xi32>
      %shift_right_logical3A_110 = arith.constant 16 : i32
      %shift_right_logical3A_111 = vector.broadcast %shift_right_logical3A_110 : i32 to vector<16xi32>
      %shift_right_logical3A_112 = arith.shrui %get3A_106, %shift_right_logical3A_111 : vector<16xi32>
      %gather3A_113 = tpu.vector_load_idx %arg6[%and3A_109] : memref<10000xi32, #tpu.memory_space<vmem>>[vector<16xi32>], vector<16xi32>,
      %swap3A_114 = arith.index_cast %scan3A_75 : i32 to index
      %swap3A_115 = arith.constant 32 : index
      %swap3A_116 = tpu.vector_load %arg9[%swap3A_114, %swap3A_115] {strides = array<i32>} : memref<250x80xi32, #tpu.memory_space<vmem>>, vector<16xi32>,
      tpu.vector_store %arg9[%swap3A_114, %swap3A_115], %gather3A_113 {strides = array<i32>} : memref<250x80xi32, #tpu.memory_space<vmem>>, vector<16xi32>,
      %swap3A_117 = arith.index_cast %scan3A_75 : i32 to index
      %swap3A_118 = arith.constant 32 : index
      %swap3A_119 = tpu.vector_load %arg8[%swap3A_117, %swap3A_118] {strides = array<i32>} : memref<250x80xi32, #tpu.memory_space<vmem>>, vector<16xi32>,
      tpu.vector_store %arg8[%swap3A_117, %swap3A_118], %shift_right_logical3A_112 {strides = array<i32>} : memref<250x80xi32, #tpu.memory_space<vmem>>, vector<16xi32>,
      %get3A_120 = arith.index_cast %scan3A_75 : i32 to index
      %get3A_121 = arith.constant 48 : index
      %get3A_122 = tpu.vector_load %arg7[%get3A_120, %get3A_121] {strides = array<i32>} : memref<250x80xi32, #tpu.memory_space<vmem>>, vector<16xi32>,
      %and3A_123 = arith.constant 65535 : i32
      %and3A_124 = vector.broadcast %and3A_123 : i32 to vector<16xi32>
      %and3A_125 = arith.andi %get3A_122, %and3A_124 : vector<16xi32>
      %shift_right_logical3A_126 = arith.constant 16 : i32
      %shift_right_logical3A_127 = vector.broadcast %shift_right_logical3A_126 : i32 to vector<16xi32>
      %shift_right_logical3A_128 = arith.shrui %get3A_122, %shift_right_logical3A_127 : vector<16xi32>
      %gather3A_129 = tpu.vector_load_idx %arg6[%and3A_125] : memref<10000xi32, #tpu.memory_space<vmem>>[vector<16xi32>], vector<16xi32>,
      %swap3A_130 = arith.index_cast %scan3A_75 : i32 to index
      %swap3A_131 = arith.constant 48 : index
      %swap3A_132 = tpu.vector_load %arg9[%swap3A_130, %swap3A_131] {strides = array<i32>} : memref<250x80xi32, #tpu.memory_space<vmem>>, vector<16xi32>,
      tpu.vector_store %arg9[%swap3A_130, %swap3A_131], %gather3A_129 {strides = array<i32>} : memref<250x80xi32, #tpu.memory_space<vmem>>, vector<16xi32>,
      %swap3A_133 = arith.index_cast %scan3A_75 : i32 to index
      %swap3A_134 = arith.constant 48 : index
      %swap3A_135 = tpu.vector_load %arg8[%swap3A_133, %swap3A_134] {strides = array<i32>} : memref<250x80xi32, #tpu.memory_space<vmem>>, vector<16xi32>,
      tpu.vector_store %arg8[%swap3A_133, %swap3A_134], %shift_right_logical3A_128 {strides = array<i32>} : memref<250x80xi32, #tpu.memory_space<vmem>>, vector<16xi32>,
      %get3A_136 = arith.index_cast %scan3A_75 : i32 to index
      %get3A_137 = arith.constant 64 : index
      %get3A_138 = tpu.vector_load %arg7[%get3A_136, %get3A_137] {strides = array<i32>} : memref<250x80xi32, #tpu.memory_space<vmem>>, vector<16xi32>,
      %and3A_139 = arith.constant 65535 : i32
      %and3A_140 = vector.broadcast %and3A_139 : i32 to vector<16xi32>
      %and3A_141 = arith.andi %get3A_138, %and3A_140 : vector<16xi32>
      %shift_right_logical3A_142 = arith.constant 16 : i32
      %shift_right_logical3A_143 = vector.broadcast %shift_right_logical3A_142 : i32 to vector<16xi32>
      %shift_right_logical3A_144 = arith.shrui %get3A_138, %shift_right_logical3A_143 : vector<16xi32>
      %gather3A_145 = tpu.vector_load_idx %arg6[%and3A_141] : memref<10000xi32, #tpu.memory_space<vmem>>[vector<16xi32>], vector<16xi32>,
      %swap3A_146 = arith.index_cast %scan3A_75 : i32 to index
      %swap3A_147 = arith.constant 64 : index
      %swap3A_148 = tpu.vector_load %arg9[%swap3A_146, %swap3A_147] {strides = array<i32>} : memref<250x80xi32, #tpu.memory_space<vmem>>, vector<16xi32>,
      tpu.vector_store %arg9[%swap3A_146, %swap3A_147], %gather3A_145 {strides = array<i32>} : memref<250x80xi32, #tpu.memory_space<vmem>>, vector<16xi32>,
      %swap3A_149 = arith.index_cast %scan3A_75 : i32 to index
      %swap3A_150 = arith.constant 64 : index
      %swap3A_151 = tpu.vector_load %arg8[%swap3A_149, %swap3A_150] {strides = array<i32>} : memref<250x80xi32, #tpu.memory_space<vmem>>, vector<16xi32>,
      tpu.vector_store %arg8[%swap3A_149, %swap3A_150], %shift_right_logical3A_144 {strides = array<i32>} : memref<250x80xi32, #tpu.memory_space<vmem>>, vector<16xi32>,
      %scan3A_152 = arith.constant 0 : i32
      scf.yield %scan3A_152 : i32
    }
    %scan3A_30 = arith.constant 250 : i32
    %dma_start3A = arith.constant 0 : i32
    %dma_start3A_31 = arith.constant 0 : i32
    %dma_start3A_32 = tpu.memref_slice %arg9[%dma_start3A, %dma_start3A_31] : memref<250x80xi32, #tpu.memory_space<vmem>> -> memref<1x80xi32, #tpu.memory_space<vmem>>
    %dma_start3A_33 = tpu.memref_squeeze %dma_start3A_32 : memref<1x80xi32, #tpu.memory_space<vmem>> -> memref<80xi32, #tpu.memory_space<vmem>>
    %dma_start3A_34 = arith.constant 0 : i32
    %dma_start3A_35 = arith.constant 0 : i32
    %dma_start3A_36 = tpu.memref_slice %arg4[%arg0, %dma_start3A_34, %dma_start3A_35] : memref<2x512x64xf32, #tpu.memory_space<hbm>> -> memref<1x512x64xf32, #tpu.memory_space<hbm>>
    %dma_start3A_37 = tpu.memref_squeeze %dma_start3A_36 : memref<1x512x64xf32, #tpu.memory_space<hbm>> -> memref<512x64xf32, #tpu.memory_space<hbm>>
    %dma_start3A_38 = arith.constant 0 : i32
    %dma_start3A_39 = arith.constant 0 : i32
    %dma_start3A_40 = tpu.memref_slice %dma_start3A_37[%dma_start3A_38, %dma_start3A_39] : memref<512x64xf32, #tpu.memory_space<hbm>> -> memref<512x64xf32, #tpu.memory_space<hbm>>
    tpu.enqueue_indirect_dma source(%dma_start3A_40 : memref<512x64xf32, #tpu.memory_space<hbm>>) target(%arg10 : memref<80x64xf32, #tpu.memory_space<vmem>>) offsets(%dma_start3A_33 : memref<80xi32, #tpu.memory_space<vmem>>) semaphore(%arg14 : memref<!tpu.dma_semaphore, #tpu.memory_space<semaphore_mem>>)
    %scan3A_41 = arith.constant 0 : i32
    %scan3A_42 = arith.constant 0 : i32
    %scan3A_43 = arith.constant 125 : i32
    %scan3A_44 = arith.addi %scan3A_42, %scan3A_43 : i32
    %scan3A_45 = arith.constant 1 : i32
    %scan3A_46 = scf.for %scan3A_75 = %scan3A_42 to %scan3A_44 step %scan3A_45 iter_args(%scan3A_76 = %scan3A_41) -> (i32)  : i32 {
      %mul3A_77 = arith.constant 2 : i32
      %mul3A_78 = arith.muli %scan3A_75, %mul3A_77 : i32
      %add3A_79 = arith.constant 1 : i32
      %add3A_80 = arith.addi %mul3A_78, %add3A_79 : i32
      %dma_wait3A_81 = arith.constant 0 : i32
      %dma_wait3A_82 = tpu.memref_slice %arg9[%mul3A_78, %dma_wait3A_81] : memref<250x80xi32, #tpu.memory_space<vmem>> -> memref<1x80xi32, #tpu.memory_space<vmem>>
      %dma_wait3A_83 = tpu.memref_squeeze %dma_wait3A_82 : memref<1x80xi32, #tpu.memory_space<vmem>> -> memref<80xi32, #tpu.memory_space<vmem>>
      %dma_wait3A_84 = arith.constant 0 : i32
      %dma_wait3A_85 = arith.constant 0 : i32
      %dma_wait3A_86 = tpu.memref_slice %arg4[%arg0, %dma_wait3A_84, %dma_wait3A_85] : memref<2x512x64xf32, #tpu.memory_space<hbm>> -> memref<1x512x64xf32, #tpu.memory_space<hbm>>
      %dma_wait3A_87 = tpu.memref_squeeze %dma_wait3A_86 : memref<1x512x64xf32, #tpu.memory_space<hbm>> -> memref<512x64xf32, #tpu.memory_space<hbm>>
      %dma_wait3A_88 = arith.constant 0 : i32
      %dma_wait3A_89 = arith.constant 0 : i32
      %dma_wait3A_90 = tpu.memref_slice %dma_wait3A_87[%dma_wait3A_88, %dma_wait3A_89] : memref<512x64xf32, #tpu.memory_space<hbm>> -> memref<512x64xf32, #tpu.memory_space<hbm>>
      tpu.wait_indirect_dma semaphore(%arg14 : memref<!tpu.dma_semaphore, #tpu.memory_space<semaphore_mem>>) src(%dma_wait3A_90 : memref<512x64xf32, #tpu.memory_space<hbm>>) dst(%arg10 : memref<80x64xf32, #tpu.memory_space<vmem>>)
      %gt3A = arith.constant 0 : i32
      %gt3A_91 = arith.cmpi sgt, %scan3A_75, %gt3A : i32
      %convert_element_type3A = arith.extui %gt3A_91 : i1 to i32
      %cond3A = arith.constant 0 : i32
      %cond3A_92 = arith.cmpi ne, %convert_element_type3A, %cond3A : i32
      scf.if %cond3A_92 {
        %sub3A = arith.constant 1 : i32
        %sub3A_138 = arith.subi %mul3A_78, %sub3A : i32
        %dma_wait3A_139 = arith.constant 0 : i32
        %dma_wait3A_140 = tpu.memref_slice %arg8[%sub3A_138, %dma_wait3A_139] : memref<250x80xi32, #tpu.memory_space<vmem>> -> memref<1x80xi32, #tpu.memory_space<vmem>>
        %dma_wait3A_141 = tpu.memref_squeeze %dma_wait3A_140 : memref<1x80xi32, #tpu.memory_space<vmem>> -> memref<80xi32, #tpu.memory_space<vmem>>
        %dma_wait3A_142 = arith.constant 0 : i32
        %dma_wait3A_143 = arith.constant 0 : i32
        %dma_wait3A_144 = tpu.memref_slice %arg13[%dma_wait3A_142, %dma_wait3A_143] : memref<10240x64xf32, #tpu.memory_space<vmem_shared>> -> memref<10240x64xf32, #tpu.memory_space<vmem_shared>>
        tpu.wait_indirect_dma semaphore(%arg17 : memref<!tpu.dma_semaphore, #tpu.memory_space<semaphore_mem>>) src(%arg11 : memref<80x64xf32, #tpu.memory_space<vmem>>) dst(%dma_wait3A_144 : memref<10240x64xf32, #tpu.memory_space<vmem_shared>>)
      } else {
      }
      %dma_start3A_93 = arith.constant 0 : i32
      %dma_start3A_94 = tpu.memref_slice %arg8[%mul3A_78, %dma_start3A_93] : memref<250x80xi32, #tpu.memory_space<vmem>> -> memref<1x80xi32, #tpu.memory_space<vmem>>
      %dma_start3A_95 = tpu.memref_squeeze %dma_start3A_94 : memref<1x80xi32, #tpu.memory_space<vmem>> -> memref<80xi32, #tpu.memory_space<vmem>>
      %dma_start3A_96 = arith.constant 0 : i32
      %dma_start3A_97 = arith.constant 0 : i32
      %dma_start3A_98 = tpu.memref_slice %arg13[%dma_start3A_96, %dma_start3A_97] : memref<10240x64xf32, #tpu.memory_space<vmem_shared>> -> memref<10240x64xf32, #tpu.memory_space<vmem_shared>>
      tpu.enqueue_indirect_dma source(%arg10 : memref<80x64xf32, #tpu.memory_space<vmem>>) target(%dma_start3A_98 : memref<10240x64xf32, #tpu.memory_space<vmem_shared>>) offsets(%dma_start3A_95 : memref<80xi32, #tpu.memory_space<vmem>>) semaphore(%arg16 : memref<!tpu.dma_semaphore, #tpu.memory_space<semaphore_mem>>) {add = true}
      %dma_start3A_99 = arith.constant 0 : i32
      %dma_start3A_100 = tpu.memref_slice %arg9[%add3A_80, %dma_start3A_99] : memref<250x80xi32, #tpu.memory_space<vmem>> -> memref<1x80xi32, #tpu.memory_space<vmem>>
      %dma_start3A_101 = tpu.memref_squeeze %dma_start3A_100 : memref<1x80xi32, #tpu.memory_space<vmem>> -> memref<80xi32, #tpu.memory_space<vmem>>
      %dma_start3A_102 = arith.constant 0 : i32
      %dma_start3A_103 = arith.constant 0 : i32
      %dma_start3A_104 = tpu.memref_slice %arg4[%arg0, %dma_start3A_102, %dma_start3A_103] : memref<2x512x64xf32, #tpu.memory_space<hbm>> -> memref<1x512x64xf32, #tpu.memory_space<hbm>>
      %dma_start3A_105 = tpu.memref_squeeze %dma_start3A_104 : memref<1x512x64xf32, #tpu.memory_space<hbm>> -> memref<512x64xf32, #tpu.memory_space<hbm>>
      %dma_start3A_106 = arith.constant 0 : i32
      %dma_start3A_107 = arith.constant 0 : i32
      %dma_start3A_108 = tpu.memref_slice %dma_start3A_105[%dma_start3A_106, %dma_start3A_107] : memref<512x64xf32, #tpu.memory_space<hbm>> -> memref<512x64xf32, #tpu.memory_space<hbm>>
      tpu.enqueue_indirect_dma source(%dma_start3A_108 : memref<512x64xf32, #tpu.memory_space<hbm>>) target(%arg11 : memref<80x64xf32, #tpu.memory_space<vmem>>) offsets(%dma_start3A_101 : memref<80xi32, #tpu.memory_space<vmem>>) semaphore(%arg15 : memref<!tpu.dma_semaphore, #tpu.memory_space<semaphore_mem>>)
      %dma_wait3A_109 = arith.constant 0 : i32
      %dma_wait3A_110 = tpu.memref_slice %arg9[%add3A_80, %dma_wait3A_109] : memref<250x80xi32, #tpu.memory_space<vmem>> -> memref<1x80xi32, #tpu.memory_space<vmem>>
      %dma_wait3A_111 = tpu.memref_squeeze %dma_wait3A_110 : memref<1x80xi32, #tpu.memory_space<vmem>> -> memref<80xi32, #tpu.memory_space<vmem>>
      %dma_wait3A_112 = arith.constant 0 : i32
      %dma_wait3A_113 = arith.constant 0 : i32
      %dma_wait3A_114 = tpu.memref_slice %arg4[%arg0, %dma_wait3A_112, %dma_wait3A_113] : memref<2x512x64xf32, #tpu.memory_space<hbm>> -> memref<1x512x64xf32, #tpu.memory_space<hbm>>
      %dma_wait3A_115 = tpu.memref_squeeze %dma_wait3A_114 : memref<1x512x64xf32, #tpu.memory_space<hbm>> -> memref<512x64xf32, #tpu.memory_space<hbm>>
      %dma_wait3A_116 = arith.constant 0 : i32
      %dma_wait3A_117 = arith.constant 0 : i32
      %dma_wait3A_118 = tpu.memref_slice %dma_wait3A_115[%dma_wait3A_116, %dma_wait3A_117] : memref<512x64xf32, #tpu.memory_space<hbm>> -> memref<512x64xf32, #tpu.memory_space<hbm>>
      tpu.wait_indirect_dma semaphore(%arg15 : memref<!tpu.dma_semaphore, #tpu.memory_space<semaphore_mem>>) src(%dma_wait3A_118 : memref<512x64xf32, #tpu.memory_space<hbm>>) dst(%arg11 : memref<80x64xf32, #tpu.memory_space<vmem>>)
      %dma_wait3A_119 = arith.constant 0 : i32
      %dma_wait3A_120 = tpu.memref_slice %arg8[%mul3A_78, %dma_wait3A_119] : memref<250x80xi32, #tpu.memory_space<vmem>> -> memref<1x80xi32, #tpu.memory_space<vmem>>
      %dma_wait3A_121 = tpu.memref_squeeze %dma_wait3A_120 : memref<1x80xi32, #tpu.memory_space<vmem>> -> memref<80xi32, #tpu.memory_space<vmem>>
      %dma_wait3A_122 = arith.constant 0 : i32
      %dma_wait3A_123 = arith.constant 0 : i32
      %dma_wait3A_124 = tpu.memref_slice %arg13[%dma_wait3A_122, %dma_wait3A_123] : memref<10240x64xf32, #tpu.memory_space<vmem_shared>> -> memref<10240x64xf32, #tpu.memory_space<vmem_shared>>
      tpu.wait_indirect_dma semaphore(%arg16 : memref<!tpu.dma_semaphore, #tpu.memory_space<semaphore_mem>>) src(%arg10 : memref<80x64xf32, #tpu.memory_space<vmem>>) dst(%dma_wait3A_124 : memref<10240x64xf32, #tpu.memory_space<vmem_shared>>)
      %add3A_125 = arith.constant 1 : i32
      %add3A_126 = arith.addi %add3A_80, %add3A_125 : i32
      %lt3A = arith.constant 250 : i32
      %lt3A_127 = arith.cmpi slt, %add3A_126, %lt3A : i32
      %convert_element_type3A_128 = arith.extui %lt3A_127 : i1 to i32
      %cond3A_129 = arith.constant 0 : i32
      %cond3A_130 = arith.cmpi ne, %convert_element_type3A_128, %cond3A_129 : i32
      scf.if %cond3A_130 {
        %add3A_138 = arith.constant 1 : i32
        %add3A_139 = arith.addi %add3A_80, %add3A_138 : i32
        %dma_start3A_140 = arith.constant 0 : i32
        %dma_start3A_141 = tpu.memref_slice %arg9[%add3A_139, %dma_start3A_140] : memref<250x80xi32, #tpu.memory_space<vmem>> -> memref<1x80xi32, #tpu.memory_space<vmem>>
        %dma_start3A_142 = tpu.memref_squeeze %dma_start3A_141 : memref<1x80xi32, #tpu.memory_space<vmem>> -> memref<80xi32, #tpu.memory_space<vmem>>
        %dma_start3A_143 = arith.constant 0 : i32
        %dma_start3A_144 = arith.constant 0 : i32
        %dma_start3A_145 = tpu.memref_slice %arg4[%arg0, %dma_start3A_143, %dma_start3A_144] : memref<2x512x64xf32, #tpu.memory_space<hbm>> -> memref<1x512x64xf32, #tpu.memory_space<hbm>>
        %dma_start3A_146 = tpu.memref_squeeze %dma_start3A_145 : memref<1x512x64xf32, #tpu.memory_space<hbm>> -> memref<512x64xf32, #tpu.memory_space<hbm>>
        %dma_start3A_147 = arith.constant 0 : i32
        %dma_start3A_148 = arith.constant 0 : i32
        %dma_start3A_149 = tpu.memref_slice %dma_start3A_146[%dma_start3A_147, %dma_start3A_148] : memref<512x64xf32, #tpu.memory_space<hbm>> -> memref<512x64xf32, #tpu.memory_space<hbm>>
        tpu.enqueue_indirect_dma source(%dma_start3A_149 : memref<512x64xf32, #tpu.memory_space<hbm>>) target(%arg10 : memref<80x64xf32, #tpu.memory_space<vmem>>) offsets(%dma_start3A_142 : memref<80xi32, #tpu.memory_space<vmem>>) semaphore(%arg14 : memref<!tpu.dma_semaphore, #tpu.memory_space<semaphore_mem>>)
      } else {
      }
      %dma_start3A_131 = arith.constant 0 : i32
      %dma_start3A_132 = tpu.memref_slice %arg8[%add3A_80, %dma_start3A_131] : memref<250x80xi32, #tpu.memory_space<vmem>> -> memref<1x80xi32, #tpu.memory_space<vmem>>
      %dma_start3A_133 = tpu.memref_squeeze %dma_start3A_132 : memref<1x80xi32, #tpu.memory_space<vmem>> -> memref<80xi32, #tpu.memory_space<vmem>>
      %dma_start3A_134 = arith.constant 0 : i32
      %dma_start3A_135 = arith.constant 0 : i32
      %dma_start3A_136 = tpu.memref_slice %arg13[%dma_start3A_134, %dma_start3A_135] : memref<10240x64xf32, #tpu.memory_space<vmem_shared>> -> memref<10240x64xf32, #tpu.memory_space<vmem_shared>>
      tpu.enqueue_indirect_dma source(%arg11 : memref<80x64xf32, #tpu.memory_space<vmem>>) target(%dma_start3A_136 : memref<10240x64xf32, #tpu.memory_space<vmem_shared>>) offsets(%dma_start3A_133 : memref<80xi32, #tpu.memory_space<vmem>>) semaphore(%arg17 : memref<!tpu.dma_semaphore, #tpu.memory_space<semaphore_mem>>) {add = true}
      %scan3A_137 = arith.constant 0 : i32
      scf.yield %scan3A_137 : i32
    }
    %scan3A_47 = arith.constant 125 : i32
    %dma_wait3A = arith.constant 249 : i32
    %dma_wait3A_48 = arith.constant 0 : i32
    %dma_wait3A_49 = tpu.memref_slice %arg8[%dma_wait3A, %dma_wait3A_48] : memref<250x80xi32, #tpu.memory_space<vmem>> -> memref<1x80xi32, #tpu.memory_space<vmem>>
    %dma_wait3A_50 = tpu.memref_squeeze %dma_wait3A_49 : memref<1x80xi32, #tpu.memory_space<vmem>> -> memref<80xi32, #tpu.memory_space<vmem>>
    %dma_wait3A_51 = arith.constant 0 : i32
    %dma_wait3A_52 = arith.constant 0 : i32
    %dma_wait3A_53 = tpu.memref_slice %arg13[%dma_wait3A_51, %dma_wait3A_52] : memref<10240x64xf32, #tpu.memory_space<vmem_shared>> -> memref<10240x64xf32, #tpu.memory_space<vmem_shared>>
    tpu.wait_indirect_dma semaphore(%arg17 : memref<!tpu.dma_semaphore, #tpu.memory_space<semaphore_mem>>) src(%arg11 : memref<80x64xf32, #tpu.memory_space<vmem>>) dst(%dma_wait3A_53 : memref<10240x64xf32, #tpu.memory_space<vmem_shared>>)
    %barrier3A_54 = arith.constant 0 : index
    tpu.barrier barrier_id(%barrier3A_54)
    %mul3A_55 = arith.constant 640 : i32
    %mul3A_56 = arith.muli %arg1, %mul3A_55 : i32
    %add3A_57 = arith.constant 0 : i32
    %add3A_58 = arith.addi %mul3A_56, %add3A_57 : i32
    "tpu.region"() ({
      %run_scoped3A = tpu.sem_alloc : memref<!tpu.dma_semaphore, #tpu.memory_space<semaphore_mem>>
      %dma_start3A_75 = arith.constant 0 : i32
      %dma_start3A_76 = arith.constant 0 : i32
      %dma_start3A_77 = tpu.memref_slice %arg12[%dma_start3A_75, %dma_start3A_76] : memref<128x64xf32, #tpu.memory_space<vmem>> -> memref<128x64xf32, #tpu.memory_space<vmem>>
      %dma_start3A_78 = arith.constant 0 : i32
      %dma_start3A_79 = tpu.memref_slice %arg13[%add3A_58, %dma_start3A_78] : memref<10240x64xf32, #tpu.memory_space<vmem_shared>> -> memref<128x64xf32, #tpu.memory_space<vmem_shared>>
      %dma_start3A_80 = arith.constant 0 : i32
      %dma_start3A_81 = arith.constant 0 : i32
      %dma_start3A_82 = tpu.memref_slice %arg12[%dma_start3A_80, %dma_start3A_81] : memref<128x64xf32, #tpu.memory_space<vmem>> -> memref<128x64xf32, #tpu.memory_space<vmem>>
      %dma_start3A_83 = arith.constant 0 : i32
      %dma_start3A_84 = tpu.memref_slice %arg13[%add3A_58, %dma_start3A_83] : memref<10240x64xf32, #tpu.memory_space<vmem_shared>> -> memref<128x64xf32, #tpu.memory_space<vmem_shared>>
      tpu.enqueue_dma source(%dma_start3A_84 : memref<128x64xf32, #tpu.memory_space<vmem_shared>>) target(%dma_start3A_82 : memref<128x64xf32, #tpu.memory_space<vmem>>) target_semaphore(%run_scoped3A : memref<!tpu.dma_semaphore, #tpu.memory_space<semaphore_mem>>)
      %dma_wait3A_85 = arith.constant 0 : i32
      %dma_wait3A_86 = arith.constant 0 : i32
      %dma_wait3A_87 = tpu.memref_slice %arg12[%dma_wait3A_85, %dma_wait3A_86] : memref<128x64xf32, #tpu.memory_space<vmem>> -> memref<128x64xf32, #tpu.memory_space<vmem>>
      %dma_wait3A_88 = arith.constant 0 : i32
      %dma_wait3A_89 = tpu.memref_slice %arg13[%add3A_58, %dma_wait3A_88] : memref<10240x64xf32, #tpu.memory_space<vmem_shared>> -> memref<128x64xf32, #tpu.memory_space<vmem_shared>>
      %dma_wait3A_90 = arith.constant 0 : i32
      %dma_wait3A_91 = arith.constant 0 : i32
      %dma_wait3A_92 = tpu.memref_slice %arg12[%dma_wait3A_90, %dma_wait3A_91] : memref<128x64xf32, #tpu.memory_space<vmem>> -> memref<128x64xf32, #tpu.memory_space<vmem>>
      %dma_wait3A_93 = arith.constant 0 : i32
      %dma_wait3A_94 = tpu.memref_slice %arg13[%add3A_58, %dma_wait3A_93] : memref<10240x64xf32, #tpu.memory_space<vmem_shared>> -> memref<128x64xf32, #tpu.memory_space<vmem_shared>>
      tpu.wait_dma2 semaphore(%run_scoped3A : memref<!tpu.dma_semaphore, #tpu.memory_space<semaphore_mem>>) src(%dma_wait3A_94 : memref<128x64xf32, #tpu.memory_space<vmem_shared>>) dst(%dma_wait3A_92 : memref<128x64xf32, #tpu.memory_space<vmem>>)
      tpu.yield
    }) : () -> ()
    "tpu.region"() ({
      %run_scoped3A = tpu.sem_alloc : memref<!tpu.dma_semaphore, #tpu.memory_space<semaphore_mem>>
      %dma_start3A_75 = arith.constant 0 : i32
      %dma_start3A_76 = arith.constant 0 : i32
      %dma_start3A_77 = tpu.memref_slice %arg12[%dma_start3A_75, %dma_start3A_76] : memref<128x64xf32, #tpu.memory_space<vmem>> -> memref<128x64xf32, #tpu.memory_space<vmem>>
      %dma_start3A_78 = arith.constant 0 : i32
      %dma_start3A_79 = arith.constant 0 : i32
      %dma_start3A_80 = tpu.memref_slice %arg5[%arg0, %dma_start3A_78, %dma_start3A_79] : memref<2x10240x64xf32, #tpu.memory_space<hbm>> -> memref<1x10240x64xf32, #tpu.memory_space<hbm>>
      %dma_start3A_81 = tpu.memref_squeeze %dma_start3A_80 : memref<1x10240x64xf32, #tpu.memory_space<hbm>> -> memref<10240x64xf32, #tpu.memory_space<hbm>>
      %dma_start3A_82 = arith.constant 0 : i32
      %dma_start3A_83 = tpu.memref_slice %dma_start3A_81[%add3A_58, %dma_start3A_82] : memref<10240x64xf32, #tpu.memory_space<hbm>> -> memref<128x64xf32, #tpu.memory_space<hbm>>
      %dma_start3A_84 = arith.constant 0 : i32
      %dma_start3A_85 = arith.constant 0 : i32
      %dma_start3A_86 = tpu.memref_slice %arg5[%arg0, %dma_start3A_84, %dma_start3A_85] : memref<2x10240x64xf32, #tpu.memory_space<hbm>> -> memref<1x10240x64xf32, #tpu.memory_space<hbm>>
      %dma_start3A_87 = tpu.memref_squeeze %dma_start3A_86 : memref<1x10240x64xf32, #tpu.memory_space<hbm>> -> memref<10240x64xf32, #tpu.memory_space<hbm>>
      %dma_start3A_88 = arith.constant 0 : i32
      %dma_start3A_89 = tpu.memref_slice %dma_start3A_87[%add3A_58, %dma_start3A_88] : memref<10240x64xf32, #tpu.memory_space<hbm>> -> memref<128x64xf32, #tpu.memory_space<hbm>>
      %dma_start3A_90 = arith.constant 0 : i32
      %dma_start3A_91 = arith.constant 0 : i32
      %dma_start3A_92 = tpu.memref_slice %arg12[%dma_start3A_90, %dma_start3A_91] : memref<128x64xf32, #tpu.memory_space<vmem>> -> memref<128x64xf32, #tpu.memory_space<vmem>>
      tpu.enqueue_dma source(%dma_start3A_92 : memref<128x64xf32, #tpu.memory_space<vmem>>) target(%dma_start3A_89 : memref<128x64xf32, #tpu.memory_space<hbm>>) target_semaphore(%run_scoped3A : memref<!tpu.dma_semaphore, #tpu.memory_space<semaphore_mem>>)
      %dma_wait3A_93 = arith.constant 0 : i32
      %dma_wait3A_94 = arith.constant 0 : i32
      %dma_wait3A_95 = tpu.memref_slice %arg12[%dma_wait3A_93, %dma_wait3A_94] : memref<128x64xf32, #tpu.memory_space<vmem>> -> memref<128x64xf32, #tpu.memory_space<vmem>>
      %dma_wait3A_96 = arith.constant 0 : i32
      %dma_wait3A_97 = arith.constant 0 : i32
      %dma_wait3A_98 = tpu.memref_slice %arg5[%arg0, %dma_wait3A_96, %dma_wait3A_97] : memref<2x10240x64xf32, #tpu.memory_space<hbm>> -> memref<1x10240x64xf32, #tpu.memory_space<hbm>>
      %dma_wait3A_99 = tpu.memref_squeeze %dma_wait3A_98 : memref<1x10240x64xf32, #tpu.memory_space<hbm>> -> memref<10240x64xf32, #tpu.memory_space<hbm>>
      %dma_wait3A_100 = arith.constant 0 : i32
      %dma_wait3A_101 = tpu.memref_slice %dma_wait3A_99[%add3A_58, %dma_wait3A_100] : memref<10240x64xf32, #tpu.memory_space<hbm>> -> memref<128x64xf32, #tpu.memory_space<hbm>>
      %dma_wait3A_102 = arith.constant 0 : i32
      %dma_wait3A_103 = arith.constant 0 : i32
      %dma_wait3A_104 = tpu.memref_slice %arg5[%arg0, %dma_wait3A_102, %dma_wait3A_103] : memref<2x10240x64xf32, #tpu.memory_space<hbm>> -> memref<1x10240x64xf32, #tpu.memory_space<hbm>>
      %dma_wait3A_105 = tpu.memref_squeeze %dma_wait3A_104 : memref<1x10240x64xf32, #tpu.memory_space<hbm>> -> memref<10240x64xf32, #tpu.memory_space<hbm>>
      %dma_wait3A_106 = arith.constant 0 : i32
      %dma_wait3A_107 = tpu.memref_slice %dma_wait3A_105[%add3A_58, %dma_wait3A_106] : memref<10240x64xf32, #tpu.memory_space<hbm>> -> memref<128x64xf32, #tpu.memory_space<hbm>>
      %dma_wait3A_108 = arith.constant 0 : i32
      %dma_wait3A_109 = arith.constant 0 : i32
      %dma_wait3A_110 = tpu.memref_slice %arg12[%dma_wait3A_108, %dma_wait3A_109] : memref<128x64xf32, #tpu.memory_space<vmem>> -> memref<128x64xf32, #tpu.memory_space<vmem>>
      tpu.wait_dma2 semaphore(%run_scoped3A : memref<!tpu.dma_semaphore, #tpu.memory_space<semaphore_mem>>) src(%dma_wait3A_110 : memref<128x64xf32, #tpu.memory_space<vmem>>) dst(%dma_wait3A_107 : memref<128x64xf32, #tpu.memory_space<hbm>>)
      tpu.yield
    }) : () -> ()
    %mul3A_59 = arith.constant 640 : i32
    %mul3A_60 = arith.muli %arg1, %mul3A_59 : i32
    %add3A_61 = arith.constant 128 : i32
    %add3A_62 = arith.addi %mul3A_60, %add3A_61 : i32
    "tpu.region"() ({
      %run_scoped3A = tpu.sem_alloc : memref<!tpu.dma_semaphore, #tpu.memory_space<semaphore_mem>>
      %dma_start3A_75 = arith.constant 0 : i32
      %dma_start3A_76 = arith.constant 0 : i32
      %dma_start3A_77 = tpu.memref_slice %arg12[%dma_start3A_75, %dma_start3A_76] : memref<128x64xf32, #tpu.memory_space<vmem>> -> memref<128x64xf32, #tpu.memory_space<vmem>>
      %dma_start3A_78 = arith.constant 0 : i32
      %dma_start3A_79 = tpu.memref_slice %arg13[%add3A_62, %dma_start3A_78] : memref<10240x64xf32, #tpu.memory_space<vmem_shared>> -> memref<128x64xf32, #tpu.memory_space<vmem_shared>>
      %dma_start3A_80 = arith.constant 0 : i32
      %dma_start3A_81 = arith.constant 0 : i32
      %dma_start3A_82 = tpu.memref_slice %arg12[%dma_start3A_80, %dma_start3A_81] : memref<128x64xf32, #tpu.memory_space<vmem>> -> memref<128x64xf32, #tpu.memory_space<vmem>>
      %dma_start3A_83 = arith.constant 0 : i32
      %dma_start3A_84 = tpu.memref_slice %arg13[%add3A_62, %dma_start3A_83] : memref<10240x64xf32, #tpu.memory_space<vmem_shared>> -> memref<128x64xf32, #tpu.memory_space<vmem_shared>>
      tpu.enqueue_dma source(%dma_start3A_84 : memref<128x64xf32, #tpu.memory_space<vmem_shared>>) target(%dma_start3A_82 : memref<128x64xf32, #tpu.memory_space<vmem>>) target_semaphore(%run_scoped3A : memref<!tpu.dma_semaphore, #tpu.memory_space<semaphore_mem>>)
      %dma_wait3A_85 = arith.constant 0 : i32
      %dma_wait3A_86 = arith.constant 0 : i32
      %dma_wait3A_87 = tpu.memref_slice %arg12[%dma_wait3A_85, %dma_wait3A_86] : memref<128x64xf32, #tpu.memory_space<vmem>> -> memref<128x64xf32, #tpu.memory_space<vmem>>
      %dma_wait3A_88 = arith.constant 0 : i32
      %dma_wait3A_89 = tpu.memref_slice %arg13[%add3A_62, %dma_wait3A_88] : memref<10240x64xf32, #tpu.memory_space<vmem_shared>> -> memref<128x64xf32, #tpu.memory_space<vmem_shared>>
      %dma_wait3A_90 = arith.constant 0 : i32
      %dma_wait3A_91 = arith.constant 0 : i32
      %dma_wait3A_92 = tpu.memref_slice %arg12[%dma_wait3A_90, %dma_wait3A_91] : memref<128x64xf32, #tpu.memory_space<vmem>> -> memref<128x64xf32, #tpu.memory_space<vmem>>
      %dma_wait3A_93 = arith.constant 0 : i32
      %dma_wait3A_94 = tpu.memref_slice %arg13[%add3A_62, %dma_wait3A_93] : memref<10240x64xf32, #tpu.memory_space<vmem_shared>> -> memref<128x64xf32, #tpu.memory_space<vmem_shared>>
      tpu.wait_dma2 semaphore(%run_scoped3A : memref<!tpu.dma_semaphore, #tpu.memory_space<semaphore_mem>>) src(%dma_wait3A_94 : memref<128x64xf32, #tpu.memory_space<vmem_shared>>) dst(%dma_wait3A_92 : memref<128x64xf32, #tpu.memory_space<vmem>>)
      tpu.yield
    }) : () -> ()
    "tpu.region"() ({
      %run_scoped3A = tpu.sem_alloc : memref<!tpu.dma_semaphore, #tpu.memory_space<semaphore_mem>>
      %dma_start3A_75 = arith.constant 0 : i32
      %dma_start3A_76 = arith.constant 0 : i32
      %dma_start3A_77 = tpu.memref_slice %arg12[%dma_start3A_75, %dma_start3A_76] : memref<128x64xf32, #tpu.memory_space<vmem>> -> memref<128x64xf32, #tpu.memory_space<vmem>>
      %dma_start3A_78 = arith.constant 0 : i32
      %dma_start3A_79 = arith.constant 0 : i32
      %dma_start3A_80 = tpu.memref_slice %arg5[%arg0, %dma_start3A_78, %dma_start3A_79] : memref<2x10240x64xf32, #tpu.memory_space<hbm>> -> memref<1x10240x64xf32, #tpu.memory_space<hbm>>
      %dma_start3A_81 = tpu.memref_squeeze %dma_start3A_80 : memref<1x10240x64xf32, #tpu.memory_space<hbm>> -> memref<10240x64xf32, #tpu.memory_space<hbm>>
      %dma_start3A_82 = arith.constant 0 : i32
      %dma_start3A_83 = tpu.memref_slice %dma_start3A_81[%add3A_62, %dma_start3A_82] : memref<10240x64xf32, #tpu.memory_space<hbm>> -> memref<128x64xf32, #tpu.memory_space<hbm>>
      %dma_start3A_84 = arith.constant 0 : i32
      %dma_start3A_85 = arith.constant 0 : i32
      %dma_start3A_86 = tpu.memref_slice %arg5[%arg0, %dma_start3A_84, %dma_start3A_85] : memref<2x10240x64xf32, #tpu.memory_space<hbm>> -> memref<1x10240x64xf32, #tpu.memory_space<hbm>>
      %dma_start3A_87 = tpu.memref_squeeze %dma_start3A_86 : memref<1x10240x64xf32, #tpu.memory_space<hbm>> -> memref<10240x64xf32, #tpu.memory_space<hbm>>
      %dma_start3A_88 = arith.constant 0 : i32
      %dma_start3A_89 = tpu.memref_slice %dma_start3A_87[%add3A_62, %dma_start3A_88] : memref<10240x64xf32, #tpu.memory_space<hbm>> -> memref<128x64xf32, #tpu.memory_space<hbm>>
      %dma_start3A_90 = arith.constant 0 : i32
      %dma_start3A_91 = arith.constant 0 : i32
      %dma_start3A_92 = tpu.memref_slice %arg12[%dma_start3A_90, %dma_start3A_91] : memref<128x64xf32, #tpu.memory_space<vmem>> -> memref<128x64xf32, #tpu.memory_space<vmem>>
      tpu.enqueue_dma source(%dma_start3A_92 : memref<128x64xf32, #tpu.memory_space<vmem>>) target(%dma_start3A_89 : memref<128x64xf32, #tpu.memory_space<hbm>>) target_semaphore(%run_scoped3A : memref<!tpu.dma_semaphore, #tpu.memory_space<semaphore_mem>>)
      %dma_wait3A_93 = arith.constant 0 : i32
      %dma_wait3A_94 = arith.constant 0 : i32
      %dma_wait3A_95 = tpu.memref_slice %arg12[%dma_wait3A_93, %dma_wait3A_94] : memref<128x64xf32, #tpu.memory_space<vmem>> -> memref<128x64xf32, #tpu.memory_space<vmem>>
      %dma_wait3A_96 = arith.constant 0 : i32
      %dma_wait3A_97 = arith.constant 0 : i32
      %dma_wait3A_98 = tpu.memref_slice %arg5[%arg0, %dma_wait3A_96, %dma_wait3A_97] : memref<2x10240x64xf32, #tpu.memory_space<hbm>> -> memref<1x10240x64xf32, #tpu.memory_space<hbm>>
      %dma_wait3A_99 = tpu.memref_squeeze %dma_wait3A_98 : memref<1x10240x64xf32, #tpu.memory_space<hbm>> -> memref<10240x64xf32, #tpu.memory_space<hbm>>
      %dma_wait3A_100 = arith.constant 0 : i32
      %dma_wait3A_101 = tpu.memref_slice %dma_wait3A_99[%add3A_62, %dma_wait3A_100] : memref<10240x64xf32, #tpu.memory_space<hbm>> -> memref<128x64xf32, #tpu.memory_space<hbm>>
      %dma_wait3A_102 = arith.constant 0 : i32
      %dma_wait3A_103 = arith.constant 0 : i32
      %dma_wait3A_104 = tpu.memref_slice %arg5[%arg0, %dma_wait3A_102, %dma_wait3A_103] : memref<2x10240x64xf32, #tpu.memory_space<hbm>> -> memref<1x10240x64xf32, #tpu.memory_space<hbm>>
      %dma_wait3A_105 = tpu.memref_squeeze %dma_wait3A_104 : memref<1x10240x64xf32, #tpu.memory_space<hbm>> -> memref<10240x64xf32, #tpu.memory_space<hbm>>
      %dma_wait3A_106 = arith.constant 0 : i32
      %dma_wait3A_107 = tpu.memref_slice %dma_wait3A_105[%add3A_62, %dma_wait3A_106] : memref<10240x64xf32, #tpu.memory_space<hbm>> -> memref<128x64xf32, #tpu.memory_space<hbm>>
      %dma_wait3A_108 = arith.constant 0 : i32
      %dma_wait3A_109 = arith.constant 0 : i32
      %dma_wait3A_110 = tpu.memref_slice %arg12[%dma_wait3A_108, %dma_wait3A_109] : memref<128x64xf32, #tpu.memory_space<vmem>> -> memref<128x64xf32, #tpu.memory_space<vmem>>
      tpu.wait_dma2 semaphore(%run_scoped3A : memref<!tpu.dma_semaphore, #tpu.memory_space<semaphore_mem>>) src(%dma_wait3A_110 : memref<128x64xf32, #tpu.memory_space<vmem>>) dst(%dma_wait3A_107 : memref<128x64xf32, #tpu.memory_space<hbm>>)
      tpu.yield
    }) : () -> ()
    %mul3A_63 = arith.constant 640 : i32
    %mul3A_64 = arith.muli %arg1, %mul3A_63 : i32
    %add3A_65 = arith.constant 256 : i32
    %add3A_66 = arith.addi %mul3A_64, %add3A_65 : i32
    "tpu.region"() ({
      %run_scoped3A = tpu.sem_alloc : memref<!tpu.dma_semaphore, #tpu.memory_space<semaphore_mem>>
      %dma_start3A_75 = arith.constant 0 : i32
      %dma_start3A_76 = arith.constant 0 : i32
      %dma_start3A_77 = tpu.memref_slice %arg12[%dma_start3A_75, %dma_start3A_76] : memref<128x64xf32, #tpu.memory_space<vmem>> -> memref<128x64xf32, #tpu.memory_space<vmem>>
      %dma_start3A_78 = arith.constant 0 : i32
      %dma_start3A_79 = tpu.memref_slice %arg13[%add3A_66, %dma_start3A_78] : memref<10240x64xf32, #tpu.memory_space<vmem_shared>> -> memref<128x64xf32, #tpu.memory_space<vmem_shared>>
      %dma_start3A_80 = arith.constant 0 : i32
      %dma_start3A_81 = arith.constant 0 : i32
      %dma_start3A_82 = tpu.memref_slice %arg12[%dma_start3A_80, %dma_start3A_81] : memref<128x64xf32, #tpu.memory_space<vmem>> -> memref<128x64xf32, #tpu.memory_space<vmem>>
      %dma_start3A_83 = arith.constant 0 : i32
      %dma_start3A_84 = tpu.memref_slice %arg13[%add3A_66, %dma_start3A_83] : memref<10240x64xf32, #tpu.memory_space<vmem_shared>> -> memref<128x64xf32, #tpu.memory_space<vmem_shared>>
      tpu.enqueue_dma source(%dma_start3A_84 : memref<128x64xf32, #tpu.memory_space<vmem_shared>>) target(%dma_start3A_82 : memref<128x64xf32, #tpu.memory_space<vmem>>) target_semaphore(%run_scoped3A : memref<!tpu.dma_semaphore, #tpu.memory_space<semaphore_mem>>)
      %dma_wait3A_85 = arith.constant 0 : i32
      %dma_wait3A_86 = arith.constant 0 : i32
      %dma_wait3A_87 = tpu.memref_slice %arg12[%dma_wait3A_85, %dma_wait3A_86] : memref<128x64xf32, #tpu.memory_space<vmem>> -> memref<128x64xf32, #tpu.memory_space<vmem>>
      %dma_wait3A_88 = arith.constant 0 : i32
      %dma_wait3A_89 = tpu.memref_slice %arg13[%add3A_66, %dma_wait3A_88] : memref<10240x64xf32, #tpu.memory_space<vmem_shared>> -> memref<128x64xf32, #tpu.memory_space<vmem_shared>>
      %dma_wait3A_90 = arith.constant 0 : i32
      %dma_wait3A_91 = arith.constant 0 : i32
      %dma_wait3A_92 = tpu.memref_slice %arg12[%dma_wait3A_90, %dma_wait3A_91] : memref<128x64xf32, #tpu.memory_space<vmem>> -> memref<128x64xf32, #tpu.memory_space<vmem>>
      %dma_wait3A_93 = arith.constant 0 : i32
      %dma_wait3A_94 = tpu.memref_slice %arg13[%add3A_66, %dma_wait3A_93] : memref<10240x64xf32, #tpu.memory_space<vmem_shared>> -> memref<128x64xf32, #tpu.memory_space<vmem_shared>>
      tpu.wait_dma2 semaphore(%run_scoped3A : memref<!tpu.dma_semaphore, #tpu.memory_space<semaphore_mem>>) src(%dma_wait3A_94 : memref<128x64xf32, #tpu.memory_space<vmem_shared>>) dst(%dma_wait3A_92 : memref<128x64xf32, #tpu.memory_space<vmem>>)
      tpu.yield
    }) : () -> ()
    "tpu.region"() ({
      %run_scoped3A = tpu.sem_alloc : memref<!tpu.dma_semaphore, #tpu.memory_space<semaphore_mem>>
      %dma_start3A_75 = arith.constant 0 : i32
      %dma_start3A_76 = arith.constant 0 : i32
      %dma_start3A_77 = tpu.memref_slice %arg12[%dma_start3A_75, %dma_start3A_76] : memref<128x64xf32, #tpu.memory_space<vmem>> -> memref<128x64xf32, #tpu.memory_space<vmem>>
      %dma_start3A_78 = arith.constant 0 : i32
      %dma_start3A_79 = arith.constant 0 : i32
      %dma_start3A_80 = tpu.memref_slice %arg5[%arg0, %dma_start3A_78, %dma_start3A_79] : memref<2x10240x64xf32, #tpu.memory_space<hbm>> -> memref<1x10240x64xf32, #tpu.memory_space<hbm>>
      %dma_start3A_81 = tpu.memref_squeeze %dma_start3A_80 : memref<1x10240x64xf32, #tpu.memory_space<hbm>> -> memref<10240x64xf32, #tpu.memory_space<hbm>>
      %dma_start3A_82 = arith.constant 0 : i32
      %dma_start3A_83 = tpu.memref_slice %dma_start3A_81[%add3A_66, %dma_start3A_82] : memref<10240x64xf32, #tpu.memory_space<hbm>> -> memref<128x64xf32, #tpu.memory_space<hbm>>
      %dma_start3A_84 = arith.constant 0 : i32
      %dma_start3A_85 = arith.constant 0 : i32
      %dma_start3A_86 = tpu.memref_slice %arg5[%arg0, %dma_start3A_84, %dma_start3A_85] : memref<2x10240x64xf32, #tpu.memory_space<hbm>> -> memref<1x10240x64xf32, #tpu.memory_space<hbm>>
      %dma_start3A_87 = tpu.memref_squeeze %dma_start3A_86 : memref<1x10240x64xf32, #tpu.memory_space<hbm>> -> memref<10240x64xf32, #tpu.memory_space<hbm>>
      %dma_start3A_88 = arith.constant 0 : i32
      %dma_start3A_89 = tpu.memref_slice %dma_start3A_87[%add3A_66, %dma_start3A_88] : memref<10240x64xf32, #tpu.memory_space<hbm>> -> memref<128x64xf32, #tpu.memory_space<hbm>>
      %dma_start3A_90 = arith.constant 0 : i32
      %dma_start3A_91 = arith.constant 0 : i32
      %dma_start3A_92 = tpu.memref_slice %arg12[%dma_start3A_90, %dma_start3A_91] : memref<128x64xf32, #tpu.memory_space<vmem>> -> memref<128x64xf32, #tpu.memory_space<vmem>>
      tpu.enqueue_dma source(%dma_start3A_92 : memref<128x64xf32, #tpu.memory_space<vmem>>) target(%dma_start3A_89 : memref<128x64xf32, #tpu.memory_space<hbm>>) target_semaphore(%run_scoped3A : memref<!tpu.dma_semaphore, #tpu.memory_space<semaphore_mem>>)
      %dma_wait3A_93 = arith.constant 0 : i32
      %dma_wait3A_94 = arith.constant 0 : i32
      %dma_wait3A_95 = tpu.memref_slice %arg12[%dma_wait3A_93, %dma_wait3A_94] : memref<128x64xf32, #tpu.memory_space<vmem>> -> memref<128x64xf32, #tpu.memory_space<vmem>>
      %dma_wait3A_96 = arith.constant 0 : i32
      %dma_wait3A_97 = arith.constant 0 : i32
      %dma_wait3A_98 = tpu.memref_slice %arg5[%arg0, %dma_wait3A_96, %dma_wait3A_97] : memref<2x10240x64xf32, #tpu.memory_space<hbm>> -> memref<1x10240x64xf32, #tpu.memory_space<hbm>>
      %dma_wait3A_99 = tpu.memref_squeeze %dma_wait3A_98 : memref<1x10240x64xf32, #tpu.memory_space<hbm>> -> memref<10240x64xf32, #tpu.memory_space<hbm>>
      %dma_wait3A_100 = arith.constant 0 : i32
      %dma_wait3A_101 = tpu.memref_slice %dma_wait3A_99[%add3A_66, %dma_wait3A_100] : memref<10240x64xf32, #tpu.memory_space<hbm>> -> memref<128x64xf32, #tpu.memory_space<hbm>>
      %dma_wait3A_102 = arith.constant 0 : i32
      %dma_wait3A_103 = arith.constant 0 : i32
      %dma_wait3A_104 = tpu.memref_slice %arg5[%arg0, %dma_wait3A_102, %dma_wait3A_103] : memref<2x10240x64xf32, #tpu.memory_space<hbm>> -> memref<1x10240x64xf32, #tpu.memory_space<hbm>>
      %dma_wait3A_105 = tpu.memref_squeeze %dma_wait3A_104 : memref<1x10240x64xf32, #tpu.memory_space<hbm>> -> memref<10240x64xf32, #tpu.memory_space<hbm>>
      %dma_wait3A_106 = arith.constant 0 : i32
      %dma_wait3A_107 = tpu.memref_slice %dma_wait3A_105[%add3A_66, %dma_wait3A_106] : memref<10240x64xf32, #tpu.memory_space<hbm>> -> memref<128x64xf32, #tpu.memory_space<hbm>>
      %dma_wait3A_108 = arith.constant 0 : i32
      %dma_wait3A_109 = arith.constant 0 : i32
      %dma_wait3A_110 = tpu.memref_slice %arg12[%dma_wait3A_108, %dma_wait3A_109] : memref<128x64xf32, #tpu.memory_space<vmem>> -> memref<128x64xf32, #tpu.memory_space<vmem>>
      tpu.wait_dma2 semaphore(%run_scoped3A : memref<!tpu.dma_semaphore, #tpu.memory_space<semaphore_mem>>) src(%dma_wait3A_110 : memref<128x64xf32, #tpu.memory_space<vmem>>) dst(%dma_wait3A_107 : memref<128x64xf32, #tpu.memory_space<hbm>>)
      tpu.yield
    }) : () -> ()
    %mul3A_67 = arith.constant 640 : i32
    %mul3A_68 = arith.muli %arg1, %mul3A_67 : i32
    %add3A_69 = arith.constant 384 : i32
    %add3A_70 = arith.addi %mul3A_68, %add3A_69 : i32
    "tpu.region"() ({
      %run_scoped3A = tpu.sem_alloc : memref<!tpu.dma_semaphore, #tpu.memory_space<semaphore_mem>>
      %dma_start3A_75 = arith.constant 0 : i32
      %dma_start3A_76 = arith.constant 0 : i32
      %dma_start3A_77 = tpu.memref_slice %arg12[%dma_start3A_75, %dma_start3A_76] : memref<128x64xf32, #tpu.memory_space<vmem>> -> memref<128x64xf32, #tpu.memory_space<vmem>>
      %dma_start3A_78 = arith.constant 0 : i32
      %dma_start3A_79 = tpu.memref_slice %arg13[%add3A_70, %dma_start3A_78] : memref<10240x64xf32, #tpu.memory_space<vmem_shared>> -> memref<128x64xf32, #tpu.memory_space<vmem_shared>>
      %dma_start3A_80 = arith.constant 0 : i32
      %dma_start3A_81 = arith.constant 0 : i32
      %dma_start3A_82 = tpu.memref_slice %arg12[%dma_start3A_80, %dma_start3A_81] : memref<128x64xf32, #tpu.memory_space<vmem>> -> memref<128x64xf32, #tpu.memory_space<vmem>>
      %dma_start3A_83 = arith.constant 0 : i32
      %dma_start3A_84 = tpu.memref_slice %arg13[%add3A_70, %dma_start3A_83] : memref<10240x64xf32, #tpu.memory_space<vmem_shared>> -> memref<128x64xf32, #tpu.memory_space<vmem_shared>>
      tpu.enqueue_dma source(%dma_start3A_84 : memref<128x64xf32, #tpu.memory_space<vmem_shared>>) target(%dma_start3A_82 : memref<128x64xf32, #tpu.memory_space<vmem>>) target_semaphore(%run_scoped3A : memref<!tpu.dma_semaphore, #tpu.memory_space<semaphore_mem>>)
      %dma_wait3A_85 = arith.constant 0 : i32
      %dma_wait3A_86 = arith.constant 0 : i32
      %dma_wait3A_87 = tpu.memref_slice %arg12[%dma_wait3A_85, %dma_wait3A_86] : memref<128x64xf32, #tpu.memory_space<vmem>> -> memref<128x64xf32, #tpu.memory_space<vmem>>
      %dma_wait3A_88 = arith.constant 0 : i32
      %dma_wait3A_89 = tpu.memref_slice %arg13[%add3A_70, %dma_wait3A_88] : memref<10240x64xf32, #tpu.memory_space<vmem_shared>> -> memref<128x64xf32, #tpu.memory_space<vmem_shared>>
      %dma_wait3A_90 = arith.constant 0 : i32
      %dma_wait3A_91 = arith.constant 0 : i32
      %dma_wait3A_92 = tpu.memref_slice %arg12[%dma_wait3A_90, %dma_wait3A_91] : memref<128x64xf32, #tpu.memory_space<vmem>> -> memref<128x64xf32, #tpu.memory_space<vmem>>
      %dma_wait3A_93 = arith.constant 0 : i32
      %dma_wait3A_94 = tpu.memref_slice %arg13[%add3A_70, %dma_wait3A_93] : memref<10240x64xf32, #tpu.memory_space<vmem_shared>> -> memref<128x64xf32, #tpu.memory_space<vmem_shared>>
      tpu.wait_dma2 semaphore(%run_scoped3A : memref<!tpu.dma_semaphore, #tpu.memory_space<semaphore_mem>>) src(%dma_wait3A_94 : memref<128x64xf32, #tpu.memory_space<vmem_shared>>) dst(%dma_wait3A_92 : memref<128x64xf32, #tpu.memory_space<vmem>>)
      tpu.yield
    }) : () -> ()
    "tpu.region"() ({
      %run_scoped3A = tpu.sem_alloc : memref<!tpu.dma_semaphore, #tpu.memory_space<semaphore_mem>>
      %dma_start3A_75 = arith.constant 0 : i32
      %dma_start3A_76 = arith.constant 0 : i32
      %dma_start3A_77 = tpu.memref_slice %arg12[%dma_start3A_75, %dma_start3A_76] : memref<128x64xf32, #tpu.memory_space<vmem>> -> memref<128x64xf32, #tpu.memory_space<vmem>>
      %dma_start3A_78 = arith.constant 0 : i32
      %dma_start3A_79 = arith.constant 0 : i32
      %dma_start3A_80 = tpu.memref_slice %arg5[%arg0, %dma_start3A_78, %dma_start3A_79] : memref<2x10240x64xf32, #tpu.memory_space<hbm>> -> memref<1x10240x64xf32, #tpu.memory_space<hbm>>
      %dma_start3A_81 = tpu.memref_squeeze %dma_start3A_80 : memref<1x10240x64xf32, #tpu.memory_space<hbm>> -> memref<10240x64xf32, #tpu.memory_space<hbm>>
      %dma_start3A_82 = arith.constant 0 : i32
      %dma_start3A_83 = tpu.memref_slice %dma_start3A_81[%add3A_70, %dma_start3A_82] : memref<10240x64xf32, #tpu.memory_space<hbm>> -> memref<128x64xf32, #tpu.memory_space<hbm>>
      %dma_start3A_84 = arith.constant 0 : i32
      %dma_start3A_85 = arith.constant 0 : i32
      %dma_start3A_86 = tpu.memref_slice %arg5[%arg0, %dma_start3A_84, %dma_start3A_85] : memref<2x10240x64xf32, #tpu.memory_space<hbm>> -> memref<1x10240x64xf32, #tpu.memory_space<hbm>>
      %dma_start3A_87 = tpu.memref_squeeze %dma_start3A_86 : memref<1x10240x64xf32, #tpu.memory_space<hbm>> -> memref<10240x64xf32, #tpu.memory_space<hbm>>
      %dma_start3A_88 = arith.constant 0 : i32
      %dma_start3A_89 = tpu.memref_slice %dma_start3A_87[%add3A_70, %dma_start3A_88] : memref<10240x64xf32, #tpu.memory_space<hbm>> -> memref<128x64xf32, #tpu.memory_space<hbm>>
      %dma_start3A_90 = arith.constant 0 : i32
      %dma_start3A_91 = arith.constant 0 : i32
      %dma_start3A_92 = tpu.memref_slice %arg12[%dma_start3A_90, %dma_start3A_91] : memref<128x64xf32, #tpu.memory_space<vmem>> -> memref<128x64xf32, #tpu.memory_space<vmem>>
      tpu.enqueue_dma source(%dma_start3A_92 : memref<128x64xf32, #tpu.memory_space<vmem>>) target(%dma_start3A_89 : memref<128x64xf32, #tpu.memory_space<hbm>>) target_semaphore(%run_scoped3A : memref<!tpu.dma_semaphore, #tpu.memory_space<semaphore_mem>>)
      %dma_wait3A_93 = arith.constant 0 : i32
      %dma_wait3A_94 = arith.constant 0 : i32
      %dma_wait3A_95 = tpu.memref_slice %arg12[%dma_wait3A_93, %dma_wait3A_94] : memref<128x64xf32, #tpu.memory_space<vmem>> -> memref<128x64xf32, #tpu.memory_space<vmem>>
      %dma_wait3A_96 = arith.constant 0 : i32
      %dma_wait3A_97 = arith.constant 0 : i32
      %dma_wait3A_98 = tpu.memref_slice %arg5[%arg0, %dma_wait3A_96, %dma_wait3A_97] : memref<2x10240x64xf32, #tpu.memory_space<hbm>> -> memref<1x10240x64xf32, #tpu.memory_space<hbm>>
      %dma_wait3A_99 = tpu.memref_squeeze %dma_wait3A_98 : memref<1x10240x64xf32, #tpu.memory_space<hbm>> -> memref<10240x64xf32, #tpu.memory_space<hbm>>
      %dma_wait3A_100 = arith.constant 0 : i32
      %dma_wait3A_101 = tpu.memref_slice %dma_wait3A_99[%add3A_70, %dma_wait3A_100] : memref<10240x64xf32, #tpu.memory_space<hbm>> -> memref<128x64xf32, #tpu.memory_space<hbm>>
      %dma_wait3A_102 = arith.constant 0 : i32
      %dma_wait3A_103 = arith.constant 0 : i32
      %dma_wait3A_104 = tpu.memref_slice %arg5[%arg0, %dma_wait3A_102, %dma_wait3A_103] : memref<2x10240x64xf32, #tpu.memory_space<hbm>> -> memref<1x10240x64xf32, #tpu.memory_space<hbm>>
      %dma_wait3A_105 = tpu.memref_squeeze %dma_wait3A_104 : memref<1x10240x64xf32, #tpu.memory_space<hbm>> -> memref<10240x64xf32, #tpu.memory_space<hbm>>
      %dma_wait3A_106 = arith.constant 0 : i32
      %dma_wait3A_107 = tpu.memref_slice %dma_wait3A_105[%add3A_70, %dma_wait3A_106] : memref<10240x64xf32, #tpu.memory_space<hbm>> -> memref<128x64xf32, #tpu.memory_space<hbm>>
      %dma_wait3A_108 = arith.constant 0 : i32
      %dma_wait3A_109 = arith.constant 0 : i32
      %dma_wait3A_110 = tpu.memref_slice %arg12[%dma_wait3A_108, %dma_wait3A_109] : memref<128x64xf32, #tpu.memory_space<vmem>> -> memref<128x64xf32, #tpu.memory_space<vmem>>
      tpu.wait_dma2 semaphore(%run_scoped3A : memref<!tpu.dma_semaphore, #tpu.memory_space<semaphore_mem>>) src(%dma_wait3A_110 : memref<128x64xf32, #tpu.memory_space<vmem>>) dst(%dma_wait3A_107 : memref<128x64xf32, #tpu.memory_space<hbm>>)
      tpu.yield
    }) : () -> ()
    %mul3A_71 = arith.constant 640 : i32
    %mul3A_72 = arith.muli %arg1, %mul3A_71 : i32
    %add3A_73 = arith.constant 512 : i32
    %add3A_74 = arith.addi %mul3A_72, %add3A_73 : i32
    "tpu.region"() ({
      %run_scoped3A = tpu.sem_alloc : memref<!tpu.dma_semaphore, #tpu.memory_space<semaphore_mem>>
      %dma_start3A_75 = arith.constant 0 : i32
      %dma_start3A_76 = arith.constant 0 : i32
      %dma_start3A_77 = tpu.memref_slice %arg12[%dma_start3A_75, %dma_start3A_76] : memref<128x64xf32, #tpu.memory_space<vmem>> -> memref<128x64xf32, #tpu.memory_space<vmem>>
      %dma_start3A_78 = arith.constant 0 : i32
      %dma_start3A_79 = tpu.memref_slice %arg13[%add3A_74, %dma_start3A_78] : memref<10240x64xf32, #tpu.memory_space<vmem_shared>> -> memref<128x64xf32, #tpu.memory_space<vmem_shared>>
      %dma_start3A_80 = arith.constant 0 : i32
      %dma_start3A_81 = arith.constant 0 : i32
      %dma_start3A_82 = tpu.memref_slice %arg12[%dma_start3A_80, %dma_start3A_81] : memref<128x64xf32, #tpu.memory_space<vmem>> -> memref<128x64xf32, #tpu.memory_space<vmem>>
      %dma_start3A_83 = arith.constant 0 : i32
      %dma_start3A_84 = tpu.memref_slice %arg13[%add3A_74, %dma_start3A_83] : memref<10240x64xf32, #tpu.memory_space<vmem_shared>> -> memref<128x64xf32, #tpu.memory_space<vmem_shared>>
      tpu.enqueue_dma source(%dma_start3A_84 : memref<128x64xf32, #tpu.memory_space<vmem_shared>>) target(%dma_start3A_82 : memref<128x64xf32, #tpu.memory_space<vmem>>) target_semaphore(%run_scoped3A : memref<!tpu.dma_semaphore, #tpu.memory_space<semaphore_mem>>)
      %dma_wait3A_85 = arith.constant 0 : i32
      %dma_wait3A_86 = arith.constant 0 : i32
      %dma_wait3A_87 = tpu.memref_slice %arg12[%dma_wait3A_85, %dma_wait3A_86] : memref<128x64xf32, #tpu.memory_space<vmem>> -> memref<128x64xf32, #tpu.memory_space<vmem>>
      %dma_wait3A_88 = arith.constant 0 : i32
      %dma_wait3A_89 = tpu.memref_slice %arg13[%add3A_74, %dma_wait3A_88] : memref<10240x64xf32, #tpu.memory_space<vmem_shared>> -> memref<128x64xf32, #tpu.memory_space<vmem_shared>>
      %dma_wait3A_90 = arith.constant 0 : i32
      %dma_wait3A_91 = arith.constant 0 : i32
      %dma_wait3A_92 = tpu.memref_slice %arg12[%dma_wait3A_90, %dma_wait3A_91] : memref<128x64xf32, #tpu.memory_space<vmem>> -> memref<128x64xf32, #tpu.memory_space<vmem>>
      %dma_wait3A_93 = arith.constant 0 : i32
      %dma_wait3A_94 = tpu.memref_slice %arg13[%add3A_74, %dma_wait3A_93] : memref<10240x64xf32, #tpu.memory_space<vmem_shared>> -> memref<128x64xf32, #tpu.memory_space<vmem_shared>>
      tpu.wait_dma2 semaphore(%run_scoped3A : memref<!tpu.dma_semaphore, #tpu.memory_space<semaphore_mem>>) src(%dma_wait3A_94 : memref<128x64xf32, #tpu.memory_space<vmem_shared>>) dst(%dma_wait3A_92 : memref<128x64xf32, #tpu.memory_space<vmem>>)
      tpu.yield
    }) : () -> ()
    "tpu.region"() ({
      %run_scoped3A = tpu.sem_alloc : memref<!tpu.dma_semaphore, #tpu.memory_space<semaphore_mem>>
      %dma_start3A_75 = arith.constant 0 : i32
      %dma_start3A_76 = arith.constant 0 : i32
      %dma_start3A_77 = tpu.memref_slice %arg12[%dma_start3A_75, %dma_start3A_76] : memref<128x64xf32, #tpu.memory_space<vmem>> -> memref<128x64xf32, #tpu.memory_space<vmem>>
      %dma_start3A_78 = arith.constant 0 : i32
      %dma_start3A_79 = arith.constant 0 : i32
      %dma_start3A_80 = tpu.memref_slice %arg5[%arg0, %dma_start3A_78, %dma_start3A_79] : memref<2x10240x64xf32, #tpu.memory_space<hbm>> -> memref<1x10240x64xf32, #tpu.memory_space<hbm>>
      %dma_start3A_81 = tpu.memref_squeeze %dma_start3A_80 : memref<1x10240x64xf32, #tpu.memory_space<hbm>> -> memref<10240x64xf32, #tpu.memory_space<hbm>>
      %dma_start3A_82 = arith.constant 0 : i32
      %dma_start3A_83 = tpu.memref_slice %dma_start3A_81[%add3A_74, %dma_start3A_82] : memref<10240x64xf32, #tpu.memory_space<hbm>> -> memref<128x64xf32, #tpu.memory_space<hbm>>
      %dma_start3A_84 = arith.constant 0 : i32
      %dma_start3A_85 = arith.constant 0 : i32
      %dma_start3A_86 = tpu.memref_slice %arg5[%arg0, %dma_start3A_84, %dma_start3A_85] : memref<2x10240x64xf32, #tpu.memory_space<hbm>> -> memref<1x10240x64xf32, #tpu.memory_space<hbm>>
      %dma_start3A_87 = tpu.memref_squeeze %dma_start3A_86 : memref<1x10240x64xf32, #tpu.memory_space<hbm>> -> memref<10240x64xf32, #tpu.memory_space<hbm>>
      %dma_start3A_88 = arith.constant 0 : i32
      %dma_start3A_89 = tpu.memref_slice %dma_start3A_87[%add3A_74, %dma_start3A_88] : memref<10240x64xf32, #tpu.memory_space<hbm>> -> memref<128x64xf32, #tpu.memory_space<hbm>>
      %dma_start3A_90 = arith.constant 0 : i32
      %dma_start3A_91 = arith.constant 0 : i32
      %dma_start3A_92 = tpu.memref_slice %arg12[%dma_start3A_90, %dma_start3A_91] : memref<128x64xf32, #tpu.memory_space<vmem>> -> memref<128x64xf32, #tpu.memory_space<vmem>>
      tpu.enqueue_dma source(%dma_start3A_92 : memref<128x64xf32, #tpu.memory_space<vmem>>) target(%dma_start3A_89 : memref<128x64xf32, #tpu.memory_space<hbm>>) target_semaphore(%run_scoped3A : memref<!tpu.dma_semaphore, #tpu.memory_space<semaphore_mem>>)
      %dma_wait3A_93 = arith.constant 0 : i32
      %dma_wait3A_94 = arith.constant 0 : i32
      %dma_wait3A_95 = tpu.memref_slice %arg12[%dma_wait3A_93, %dma_wait3A_94] : memref<128x64xf32, #tpu.memory_space<vmem>> -> memref<128x64xf32, #tpu.memory_space<vmem>>
      %dma_wait3A_96 = arith.constant 0 : i32
      %dma_wait3A_97 = arith.constant 0 : i32
      %dma_wait3A_98 = tpu.memref_slice %arg5[%arg0, %dma_wait3A_96, %dma_wait3A_97] : memref<2x10240x64xf32, #tpu.memory_space<hbm>> -> memref<1x10240x64xf32, #tpu.memory_space<hbm>>
      %dma_wait3A_99 = tpu.memref_squeeze %dma_wait3A_98 : memref<1x10240x64xf32, #tpu.memory_space<hbm>> -> memref<10240x64xf32, #tpu.memory_space<hbm>>
      %dma_wait3A_100 = arith.constant 0 : i32
      %dma_wait3A_101 = tpu.memref_slice %dma_wait3A_99[%add3A_74, %dma_wait3A_100] : memref<10240x64xf32, #tpu.memory_space<hbm>> -> memref<128x64xf32, #tpu.memory_space<hbm>>
      %dma_wait3A_102 = arith.constant 0 : i32
      %dma_wait3A_103 = arith.constant 0 : i32
      %dma_wait3A_104 = tpu.memref_slice %arg5[%arg0, %dma_wait3A_102, %dma_wait3A_103] : memref<2x10240x64xf32, #tpu.memory_space<hbm>> -> memref<1x10240x64xf32, #tpu.memory_space<hbm>>
      %dma_wait3A_105 = tpu.memref_squeeze %dma_wait3A_104 : memref<1x10240x64xf32, #tpu.memory_space<hbm>> -> memref<10240x64xf32, #tpu.memory_space<hbm>>
      %dma_wait3A_106 = arith.constant 0 : i32
      %dma_wait3A_107 = tpu.memref_slice %dma_wait3A_105[%add3A_74, %dma_wait3A_106] : memref<10240x64xf32, #tpu.memory_space<hbm>> -> memref<128x64xf32, #tpu.memory_space<hbm>>
      %dma_wait3A_108 = arith.constant 0 : i32
      %dma_wait3A_109 = arith.constant 0 : i32
      %dma_wait3A_110 = tpu.memref_slice %arg12[%dma_wait3A_108, %dma_wait3A_109] : memref<128x64xf32, #tpu.memory_space<vmem>> -> memref<128x64xf32, #tpu.memory_space<vmem>>
      tpu.wait_dma2 semaphore(%run_scoped3A : memref<!tpu.dma_semaphore, #tpu.memory_space<semaphore_mem>>) src(%dma_wait3A_110 : memref<128x64xf32, #tpu.memory_space<vmem>>) dst(%dma_wait3A_107 : memref<128x64xf32, #tpu.memory_space<hbm>>)
      tpu.yield
    }) : () -> ()
    return
  }
}

module attributes {stable_mosaic.version = 14 : i64} {
  func.func @_tc_pre_body(%arg0: memref<10000x1xi32, #tpu.memory_space<vmem>>, %arg1: memref<512x128xf32, #tpu.memory_space<vmem>>, %arg2: memref<384x128xf32, #tpu.memory_space<vmem>>, %arg3: memref<10000x128xf32, #tpu.memory_space<vmem>>, %arg4: memref<10000x384xf32, #tpu.memory_space<vmem>>) attributes {dimension_semantics = [], scalar_prefetch = 0 : i64, scratch_operands = 0 : i64, tpu.core_type = #tpu.core_type<tc>} {
    %get3A = arith.constant 0 : index
    %get3A_0 = arith.constant 0 : index
    %get3A_1 = vector.load %arg1[%get3A, %get3A_0] : memref<512x128xf32, #tpu.memory_space<vmem>>, vector<512x128xf32>
    %get3A_2 = arith.constant 0 : index
    %get3A_3 = arith.constant 0 : index
    %get3A_4 = vector.load %arg2[%get3A_2, %get3A_3] : memref<384x128xf32, #tpu.memory_space<vmem>>, vector<384x128xf32>
    %scan3A = arith.constant 0 : i32
    %scan3A_5 = arith.constant 10 : i32
    %scan3A_6 = arith.addi %scan3A, %scan3A_5 : i32
    %scan3A_7 = arith.constant 1 : i32
    scf.for %scan3A_9 = %scan3A to %scan3A_6 step %scan3A_7  : i32 {
      %mul3A = arith.constant 1000 : i32
      %mul3A_10 = arith.muli %scan3A_9, %mul3A : i32
      %get3A_11 = arith.index_cast %mul3A_10 : i32 to index
      %get3A_12 = arith.constant 0 : index
      %get3A_13 = vector.load %arg0[%get3A_11, %get3A_12] : memref<10000x1xi32, #tpu.memory_space<vmem>>, vector<1000x1xi32>
      %iota3A = tpu.iota {dimensions = array<i32: 1>} : vector<1000x512xi32>
      %eq3A = vector.broadcast %get3A_13 : vector<1000x1xi32> to vector<1000x512xi32>
      %eq3A_14 = arith.cmpi eq, %iota3A, %eq3A : vector<1000x512xi32>
      %convert_element_type3A = arith.extui %eq3A_14 : vector<1000x512xi1> to vector<1000x512xi32>
      %convert_element_type3A_15 = arith.sitofp %convert_element_type3A : vector<1000x512xi32> to vector<1000x512xf32>
      %dot_general3A = arith.constant dense<0.000000e+00> : vector<1000x128xf32>
      %dot_general3A_16 = tpu.matmul %convert_element_type3A_15, %get3A_1, %dot_general3A {dimension_numbers = #tpu.dot_dimension_numbers<[1], [0], [0], [1], [0, 0, 1, 1], [], []>, transpose_lhs_hint = false} : vector<1000x512xf32>, vector<512x128xf32>, vector<1000x128xf32> -> vector<1000x128xf32>
      %swap3A = arith.index_cast %mul3A_10 : i32 to index
      %swap3A_17 = arith.constant 0 : index
      %swap3A_18 = vector.load %arg3[%swap3A, %swap3A_17] : memref<10000x128xf32, #tpu.memory_space<vmem>>, vector<1000x128xf32>
      tpu.vector_store %arg3[%swap3A, %swap3A_17], %dot_general3A_16 {strides = array<i32>} : memref<10000x128xf32, #tpu.memory_space<vmem>>, vector<1000x128xf32>,
      %dot_general3A_19 = arith.constant dense<0.000000e+00> : vector<1000x384xf32>
      %dot_general3A_20 = tpu.matmul %dot_general3A_16, %get3A_4, %dot_general3A_19 {dimension_numbers = #tpu.dot_dimension_numbers<[1], [1], [0], [0], [0, 0, 1, 0], [], []>, transpose_lhs_hint = false} : vector<1000x128xf32>, vector<384x128xf32>, vector<1000x384xf32> -> vector<1000x384xf32>
      %swap3A_21 = arith.index_cast %mul3A_10 : i32 to index
      %swap3A_22 = arith.constant 0 : index
      %swap3A_23 = vector.load %arg4[%swap3A_21, %swap3A_22] : memref<10000x384xf32, #tpu.memory_space<vmem>>, vector<1000x384xf32>
      tpu.vector_store %arg4[%swap3A_21, %swap3A_22], %dot_general3A_20 {strides = array<i32>} : memref<10000x384xf32, #tpu.memory_space<vmem>>, vector<1000x384xf32>,
    }
    %scan3A_8 = arith.constant 10 : i32
    return
  }
}

module attributes {stable_mosaic.version = 14 : i64} {
  func.func @_tc_body(%arg0: memref<2x10240x64xf32, #tpu.memory_space<vmem>>, %arg1: memref<10000x128xf32, #tpu.memory_space<vmem>>, %arg2: memref<10000x384xf32, #tpu.memory_space<vmem>>, %arg3: memref<10000x1xi32, #tpu.memory_space<vmem>>, %arg4: memref<10000x1xi32, #tpu.memory_space<vmem>>, %arg5: memref<512x128xf32, #tpu.memory_space<vmem>>, %arg6: memref<384x128xf32, #tpu.memory_space<vmem>>, %arg7: memref<128x128xf32, #tpu.memory_space<vmem>>, %arg8: memref<128x128xf32, #tpu.memory_space<vmem>>, %arg9: memref<1x128xf32, #tpu.memory_space<vmem>>, %arg10: memref<128x128xf32, #tpu.memory_space<vmem>>, %arg11: memref<1x128xf32, #tpu.memory_space<vmem>>, %arg12: memref<128x256xf32, #tpu.memory_space<vmem>>, %arg13: memref<256x512xf32, #tpu.memory_space<vmem>>, %arg14: memref<10000x128xf32, #tpu.memory_space<vmem>>, %arg15: memref<256x128xf32, #tpu.memory_space<vmem>>, %arg16: memref<256x128xf32, #tpu.memory_space<vmem>>) attributes {dimension_semantics = [], scalar_prefetch = 0 : i64, scratch_operands = 3 : i64, tpu.core_type = #tpu.core_type<tc>} {
    %get3A = arith.constant 0 : index
    %get3A_0 = arith.constant 0 : index
    %get3A_1 = vector.load %arg5[%get3A, %get3A_0] : memref<512x128xf32, #tpu.memory_space<vmem>>, vector<512x128xf32>
    %get3A_2 = arith.constant 0 : index
    %get3A_3 = arith.constant 0 : index
    %get3A_4 = vector.load %arg6[%get3A_2, %get3A_3] : memref<384x128xf32, #tpu.memory_space<vmem>>, vector<384x128xf32>
    %broadcast_in_dim3A = arith.constant 0.000000e+00 : f32
    %broadcast_in_dim3A_5 = vector.broadcast %broadcast_in_dim3A : f32 to vector<256x128xf32>
    %swap3A = arith.constant 0 : index
    %swap3A_6 = arith.constant 0 : index
    %swap3A_7 = vector.load %arg15[%swap3A, %swap3A_6] : memref<256x128xf32, #tpu.memory_space<vmem>>, vector<256x128xf32>
    tpu.vector_store %arg15[%swap3A, %swap3A_6], %broadcast_in_dim3A_5 {strides = array<i32>} : memref<256x128xf32, #tpu.memory_space<vmem>>, vector<256x128xf32>,
    %broadcast_in_dim3A_8 = arith.constant 0.000000e+00 : f32
    %broadcast_in_dim3A_9 = vector.broadcast %broadcast_in_dim3A_8 : f32 to vector<256x128xf32>
    %swap3A_10 = arith.constant 0 : index
    %swap3A_11 = arith.constant 0 : index
    %swap3A_12 = vector.load %arg16[%swap3A_10, %swap3A_11] : memref<256x128xf32, #tpu.memory_space<vmem>>, vector<256x128xf32>
    tpu.vector_store %arg16[%swap3A_10, %swap3A_11], %broadcast_in_dim3A_9 {strides = array<i32>} : memref<256x128xf32, #tpu.memory_space<vmem>>, vector<256x128xf32>,
    %scan3A = arith.constant 0 : i32
    %scan3A_13 = arith.constant 10 : i32
    %scan3A_14 = arith.addi %scan3A, %scan3A_13 : i32
    %scan3A_15 = arith.constant 1 : i32
    scf.for %scan3A_37 = %scan3A to %scan3A_14 step %scan3A_15  : i32 {
      %mul3A = arith.constant 1000 : i32
      %mul3A_38 = arith.muli %scan3A_37, %mul3A : i32
      %get3A_39 = arith.index_cast %mul3A_38 : i32 to index
      %get3A_40 = arith.constant 0 : index
      %get3A_41 = vector.load %arg1[%get3A_39, %get3A_40] : memref<10000x128xf32, #tpu.memory_space<vmem>>, vector<1000x128xf32>
      %get3A_42 = arith.constant 0 : index
      %get3A_43 = arith.index_cast %mul3A_38 : i32 to index
      %get3A_44 = arith.constant 0 : index
      %get3A_45 = vector.load %arg0[%get3A_42, %get3A_43, %get3A_44] : memref<2x10240x64xf32, #tpu.memory_space<vmem>>, vector<1x1000x64xf32>
      %get3A_46 = vector.shape_cast %get3A_45 : vector<1x1000x64xf32> to vector<1000x64xf32>
      %get3A_47 = arith.constant 1 : index
      %get3A_48 = arith.index_cast %mul3A_38 : i32 to index
      %get3A_49 = arith.constant 0 : index
      %get3A_50 = vector.load %arg0[%get3A_47, %get3A_48, %get3A_49] : memref<2x10240x64xf32, #tpu.memory_space<vmem>>, vector<1x1000x64xf32>
      %get3A_51 = vector.shape_cast %get3A_50 : vector<1x1000x64xf32> to vector<1000x64xf32>
      %concatenate3A_52 = tpu.concatenate %get3A_46, %get3A_51 in 1 : vector<1000x64xf32>, vector<1000x64xf32> -> vector<1000x128xf32>
      %dot_general3A_53 = arith.constant dense<0.000000e+00> : vector<1000x384xf32>
      %dot_general3A_54 = tpu.matmul %concatenate3A_52, %get3A_4, %dot_general3A_53 {dimension_numbers = #tpu.dot_dimension_numbers<[1], [1], [0], [0], [0, 0, 1, 0], [], []>, transpose_lhs_hint = false} : vector<1000x128xf32>, vector<384x128xf32>, vector<1000x384xf32> -> vector<1000x384xf32>
      %get3A_55 = arith.index_cast %mul3A_38 : i32 to index
      %get3A_56 = arith.constant 0 : index
      %get3A_57 = vector.load %arg2[%get3A_55, %get3A_56] : memref<10000x384xf32, #tpu.memory_space<vmem>>, vector<1000x384xf32>
      %slice3A = vector.extract_strided_slice %dot_general3A_54 {offsets = [0, 0], sizes = [1000, 128], strides = [1, 1]} : vector<1000x384xf32> to vector<1000x128xf32>
      %slice3A_58 = vector.extract_strided_slice %get3A_57 {offsets = [0, 0], sizes = [1000, 128], strides = [1, 1]} : vector<1000x384xf32> to vector<1000x128xf32>
      %add3A = arith.addf %slice3A, %slice3A_58 : vector<1000x128xf32>
      %logistic3A = arith.negf %add3A : vector<1000x128xf32>
      %logistic3A_59 = math.exp %logistic3A : vector<1000x128xf32>
      %logistic3A_60 = arith.constant 1.000000e+00 : f32
      %logistic3A_61 = vector.broadcast %logistic3A_60 : f32 to vector<1000x128xf32>
      %logistic3A_62 = arith.addf %logistic3A_61, %logistic3A_59 : vector<1000x128xf32>
      %logistic3A_63 = arith.divf %logistic3A_61, %logistic3A_62 : vector<1000x128xf32>
      %slice3A_64 = vector.extract_strided_slice %dot_general3A_54 {offsets = [0, 128], sizes = [1000, 128], strides = [1, 1]} : vector<1000x384xf32> to vector<1000x128xf32>
      %slice3A_65 = vector.extract_strided_slice %get3A_57 {offsets = [0, 128], sizes = [1000, 128], strides = [1, 1]} : vector<1000x384xf32> to vector<1000x128xf32>
      %add3A_66 = arith.addf %slice3A_64, %slice3A_65 : vector<1000x128xf32>
      %logistic3A_67 = arith.negf %add3A_66 : vector<1000x128xf32>
      %logistic3A_68 = math.exp %logistic3A_67 : vector<1000x128xf32>
      %logistic3A_69 = arith.constant 1.000000e+00 : f32
      %logistic3A_70 = vector.broadcast %logistic3A_69 : f32 to vector<1000x128xf32>
      %logistic3A_71 = arith.addf %logistic3A_70, %logistic3A_68 : vector<1000x128xf32>
      %logistic3A_72 = arith.divf %logistic3A_70, %logistic3A_71 : vector<1000x128xf32>
      %slice3A_73 = vector.extract_strided_slice %dot_general3A_54 {offsets = [0, 256], sizes = [1000, 128], strides = [1, 1]} : vector<1000x384xf32> to vector<1000x128xf32>
      %slice3A_74 = vector.extract_strided_slice %get3A_57 {offsets = [0, 256], sizes = [1000, 128], strides = [1, 1]} : vector<1000x384xf32> to vector<1000x128xf32>
      %mul3A_75 = arith.mulf %logistic3A_63, %slice3A_74 : vector<1000x128xf32>
      %add3A_76 = arith.addf %slice3A_73, %mul3A_75 : vector<1000x128xf32>
      %tanh3A = math.tanh %add3A_76 : vector<1000x128xf32>
      %sub3A = arith.constant 1.000000e+00 : f32
      %sub3A_77 = vector.broadcast %sub3A : f32 to vector<1000x128xf32>
      %sub3A_78 = arith.subf %sub3A_77, %logistic3A_72 : vector<1000x128xf32>
      %mul3A_79 = arith.mulf %sub3A_78, %tanh3A : vector<1000x128xf32>
      %mul3A_80 = arith.mulf %logistic3A_72, %get3A_41 : vector<1000x128xf32>
      %add3A_81 = arith.addf %mul3A_79, %mul3A_80 : vector<1000x128xf32>
      %swap3A_82 = arith.index_cast %mul3A_38 : i32 to index
      %swap3A_83 = arith.constant 0 : index
      %swap3A_84 = vector.load %arg14[%swap3A_82, %swap3A_83] : memref<10000x128xf32, #tpu.memory_space<vmem>>, vector<1000x128xf32>
      tpu.vector_store %arg14[%swap3A_82, %swap3A_83], %add3A_81 {strides = array<i32>} : memref<10000x128xf32, #tpu.memory_space<vmem>>, vector<1000x128xf32>,
      %get3A_85 = arith.index_cast %mul3A_38 : i32 to index
      %get3A_86 = arith.constant 0 : index
      %get3A_87 = vector.load %arg3[%get3A_85, %get3A_86] : memref<10000x1xi32, #tpu.memory_space<vmem>>, vector<1000x1xi32>
      %iota3A = tpu.iota {dimensions = array<i32: 1>} : vector<1000x256xi32>
      %eq3A = vector.broadcast %get3A_87 : vector<1000x1xi32> to vector<1000x256xi32>
      %eq3A_88 = arith.cmpi eq, %iota3A, %eq3A : vector<1000x256xi32>
      %convert_element_type3A = arith.extui %eq3A_88 : vector<1000x256xi1> to vector<1000x256xi32>
      %convert_element_type3A_89 = arith.sitofp %convert_element_type3A : vector<1000x256xi32> to vector<1000x256xf32>
      %get3A_90 = arith.index_cast %mul3A_38 : i32 to index
      %get3A_91 = arith.constant 0 : index
      %get3A_92 = vector.load %arg4[%get3A_90, %get3A_91] : memref<10000x1xi32, #tpu.memory_space<vmem>>, vector<1000x1xi32>
      %ne3A = arith.cmpi ne, %get3A_87, %get3A_92 : vector<1000x1xi32>
      %convert_element_type3A_93 = arith.extui %ne3A : vector<1000x1xi1> to vector<1000x1xi32>
      %convert_element_type3A_94 = arith.sitofp %convert_element_type3A_93 : vector<1000x1xi32> to vector<1000x1xf32>
      %get3A_95 = arith.constant 0 : index
      %get3A_96 = arith.constant 0 : index
      %get3A_97 = vector.load %arg15[%get3A_95, %get3A_96] : memref<256x128xf32, #tpu.memory_space<vmem>>, vector<256x128xf32>
      %mul3A_98 = vector.broadcast %convert_element_type3A_94 : vector<1000x1xf32> to vector<1000x256xf32>
      %mul3A_99 = arith.mulf %convert_element_type3A_89, %mul3A_98 : vector<1000x256xf32>
      %dot_general3A_100 = arith.constant dense<0.000000e+00> : vector<256x128xf32>
      %dot_general3A_101 = tpu.matmul %mul3A_99, %add3A_81, %dot_general3A_100 {dimension_numbers = #tpu.dot_dimension_numbers<[0], [0], [1], [1], [0, 1, 1, 1], [], []>, transpose_lhs_hint = false} : vector<1000x256xf32>, vector<1000x128xf32>, vector<256x128xf32> -> vector<256x128xf32>
      %add3A_102 = arith.addf %get3A_97, %dot_general3A_101 : vector<256x128xf32>
      %swap3A_103 = arith.constant 0 : index
      %swap3A_104 = arith.constant 0 : index
      %swap3A_105 = vector.load %arg15[%swap3A_103, %swap3A_104] : memref<256x128xf32, #tpu.memory_space<vmem>>, vector<256x128xf32>
      tpu.vector_store %arg15[%swap3A_103, %swap3A_104], %add3A_102 {strides = array<i32>} : memref<256x128xf32, #tpu.memory_space<vmem>>, vector<256x128xf32>,
    }
    %scan3A_16 = arith.constant 10 : i32
    %get3A_17 = arith.constant 0 : index
    %get3A_18 = arith.constant 0 : index
    %get3A_19 = vector.load %arg15[%get3A_17, %get3A_18] : memref<256x128xf32, #tpu.memory_space<vmem>>, vector<256x128xf32>
    %scan3A_20 = arith.constant 0 : i32
    %scan3A_21 = arith.constant 10 : i32
    %scan3A_22 = arith.addi %scan3A_20, %scan3A_21 : i32
    %scan3A_23 = arith.constant 1 : i32
    scf.for %scan3A_37 = %scan3A_20 to %scan3A_22 step %scan3A_23  : i32 {
      %mul3A = arith.constant 1000 : i32
      %mul3A_38 = arith.muli %scan3A_37, %mul3A : i32
      %get3A_39 = arith.index_cast %mul3A_38 : i32 to index
      %get3A_40 = arith.constant 0 : index
      %get3A_41 = vector.load %arg14[%get3A_39, %get3A_40] : memref<10000x128xf32, #tpu.memory_space<vmem>>, vector<1000x128xf32>
      %get3A_42 = arith.index_cast %mul3A_38 : i32 to index
      %get3A_43 = arith.constant 0 : index
      %get3A_44 = vector.load %arg3[%get3A_42, %get3A_43] : memref<10000x1xi32, #tpu.memory_space<vmem>>, vector<1000x1xi32>
      %iota3A = tpu.iota {dimensions = array<i32: 1>} : vector<1000x256xi32>
      %eq3A = vector.broadcast %get3A_44 : vector<1000x1xi32> to vector<1000x256xi32>
      %eq3A_45 = arith.cmpi eq, %iota3A, %eq3A : vector<1000x256xi32>
      %convert_element_type3A = arith.extui %eq3A_45 : vector<1000x256xi1> to vector<1000x256xi32>
      %convert_element_type3A_46 = arith.sitofp %convert_element_type3A : vector<1000x256xi32> to vector<1000x256xf32>
      %dot_general3A_47 = arith.constant dense<0.000000e+00> : vector<1000x128xf32>
      %dot_general3A_48 = tpu.matmul %convert_element_type3A_46, %get3A_19, %dot_general3A_47 {dimension_numbers = #tpu.dot_dimension_numbers<[1], [0], [0], [1], [0, 0, 1, 1], [], []>, transpose_lhs_hint = false} : vector<1000x256xf32>, vector<256x128xf32>, vector<1000x128xf32> -> vector<1000x128xf32>
      %get3A_49 = arith.constant 0 : index
      %get3A_50 = arith.constant 0 : index
      %get3A_51 = vector.load %arg7[%get3A_49, %get3A_50] : memref<128x128xf32, #tpu.memory_space<vmem>>, vector<128x128xf32>
      %dot_general3A_52 = arith.constant dense<0.000000e+00> : vector<1000x128xf32>
      %dot_general3A_53 = tpu.matmul %dot_general3A_48, %get3A_51, %dot_general3A_52 {dimension_numbers = #tpu.dot_dimension_numbers<[1], [1], [0], [0], [0, 0, 1, 0], [], []>, transpose_lhs_hint = false} : vector<1000x128xf32>, vector<128x128xf32>, vector<1000x128xf32> -> vector<1000x128xf32>
      %get3A_54 = arith.constant 0 : index
      %get3A_55 = arith.constant 0 : index
      %get3A_56 = vector.load %arg8[%get3A_54, %get3A_55] : memref<128x128xf32, #tpu.memory_space<vmem>>, vector<128x128xf32>
      %dot_general3A_57 = arith.constant dense<0.000000e+00> : vector<1000x128xf32>
      %dot_general3A_58 = tpu.matmul %get3A_41, %get3A_56, %dot_general3A_57 {dimension_numbers = #tpu.dot_dimension_numbers<[1], [1], [0], [0], [0, 0, 1, 0], [], []>, transpose_lhs_hint = false} : vector<1000x128xf32>, vector<128x128xf32>, vector<1000x128xf32> -> vector<1000x128xf32>
      %get3A_59 = arith.constant 0 : index
      %get3A_60 = arith.constant 0 : index
      %get3A_61 = vector.load %arg9[%get3A_59, %get3A_60] : memref<1x128xf32, #tpu.memory_space<vmem>>, vector<1x128xf32>
      %add3A = vector.broadcast %get3A_61 : vector<1x128xf32> to vector<1000x128xf32>
      %add3A_62 = arith.addf %dot_general3A_58, %add3A : vector<1000x128xf32>
      %add3A_63 = arith.addf %dot_general3A_53, %add3A_62 : vector<1000x128xf32>
      %logistic3A = arith.negf %add3A_63 : vector<1000x128xf32>
      %logistic3A_64 = math.exp %logistic3A : vector<1000x128xf32>
      %logistic3A_65 = arith.constant 1.000000e+00 : f32
      %logistic3A_66 = vector.broadcast %logistic3A_65 : f32 to vector<1000x128xf32>
      %logistic3A_67 = arith.addf %logistic3A_66, %logistic3A_64 : vector<1000x128xf32>
      %logistic3A_68 = arith.divf %logistic3A_66, %logistic3A_67 : vector<1000x128xf32>
      %get3A_69 = arith.constant 0 : index
      %get3A_70 = arith.constant 0 : index
      %get3A_71 = vector.load %arg10[%get3A_69, %get3A_70] : memref<128x128xf32, #tpu.memory_space<vmem>>, vector<128x128xf32>
      %dot_general3A_72 = arith.constant dense<0.000000e+00> : vector<1000x128xf32>
      %dot_general3A_73 = tpu.matmul %logistic3A_68, %get3A_71, %dot_general3A_72 {dimension_numbers = #tpu.dot_dimension_numbers<[1], [1], [0], [0], [0, 0, 1, 0], [], []>, transpose_lhs_hint = false} : vector<1000x128xf32>, vector<128x128xf32>, vector<1000x128xf32> -> vector<1000x128xf32>
      %get3A_74 = arith.constant 0 : index
      %get3A_75 = arith.constant 0 : index
      %get3A_76 = vector.load %arg11[%get3A_74, %get3A_75] : memref<1x128xf32, #tpu.memory_space<vmem>>, vector<1x128xf32>
      %add3A_77 = vector.broadcast %get3A_76 : vector<1x128xf32> to vector<1000x128xf32>
      %add3A_78 = arith.addf %dot_general3A_73, %add3A_77 : vector<1000x128xf32>
      %mul3A_79 = arith.mulf %add3A_78, %get3A_41 : vector<1000x128xf32>
      %get3A_80 = arith.constant 0 : index
      %get3A_81 = arith.constant 0 : index
      %get3A_82 = vector.load %arg16[%get3A_80, %get3A_81] : memref<256x128xf32, #tpu.memory_space<vmem>>, vector<256x128xf32>
      %dot_general3A_83 = arith.constant dense<0.000000e+00> : vector<256x128xf32>
      %dot_general3A_84 = tpu.matmul %convert_element_type3A_46, %mul3A_79, %dot_general3A_83 {dimension_numbers = #tpu.dot_dimension_numbers<[0], [0], [1], [1], [0, 1, 1, 1], [], []>, transpose_lhs_hint = false} : vector<1000x256xf32>, vector<1000x128xf32>, vector<256x128xf32> -> vector<256x128xf32>
      %add3A_85 = arith.addf %get3A_82, %dot_general3A_84 : vector<256x128xf32>
      %swap3A_86 = arith.constant 0 : index
      %swap3A_87 = arith.constant 0 : index
      %swap3A_88 = vector.load %arg16[%swap3A_86, %swap3A_87] : memref<256x128xf32, #tpu.memory_space<vmem>>, vector<256x128xf32>
      tpu.vector_store %arg16[%swap3A_86, %swap3A_87], %add3A_85 {strides = array<i32>} : memref<256x128xf32, #tpu.memory_space<vmem>>, vector<256x128xf32>,
    }
    %scan3A_24 = arith.constant 10 : i32
    %get3A_25 = arith.constant 0 : index
    %get3A_26 = arith.constant 0 : index
    %get3A_27 = vector.load %arg16[%get3A_25, %get3A_26] : memref<256x128xf32, #tpu.memory_space<vmem>>, vector<256x128xf32>
    %concatenate3A = tpu.concatenate %get3A_19, %get3A_27 in 1 : vector<256x128xf32>, vector<256x128xf32> -> vector<256x256xf32>
    %get3A_28 = arith.constant 0 : index
    %get3A_29 = arith.constant 0 : index
    %get3A_30 = vector.load %arg12[%get3A_28, %get3A_29] : memref<128x256xf32, #tpu.memory_space<vmem>>, vector<128x256xf32>
    %dot_general3A = arith.constant dense<0.000000e+00> : vector<256x128xf32>
    %dot_general3A_31 = tpu.matmul %concatenate3A, %get3A_30, %dot_general3A {dimension_numbers = #tpu.dot_dimension_numbers<[1], [1], [0], [0], [0, 0, 1, 0], [], []>, transpose_lhs_hint = false} : vector<256x256xf32>, vector<128x256xf32>, vector<256x128xf32> -> vector<256x128xf32>
    %dot_general3A_32 = arith.constant dense<0.000000e+00> : vector<256x512xf32>
    %dot_general3A_33 = tpu.matmul %dot_general3A_31, %get3A_1, %dot_general3A_32 {dimension_numbers = #tpu.dot_dimension_numbers<[1], [1], [0], [0], [0, 0, 1, 0], [], []>, transpose_lhs_hint = false} : vector<256x128xf32>, vector<512x128xf32>, vector<256x512xf32> -> vector<256x512xf32>
    %swap3A_34 = arith.constant 0 : index
    %swap3A_35 = arith.constant 0 : index
    %swap3A_36 = vector.load %arg13[%swap3A_34, %swap3A_35] : memref<256x512xf32, #tpu.memory_space<vmem>>, vector<256x512xf32>
    tpu.vector_store %arg13[%swap3A_34, %swap3A_35], %dot_general3A_33 {strides = array<i32>} : memref<256x512xf32, #tpu.memory_space<vmem>>, vector<256x512xf32>,
    return
  }
}

</mosaic_0001>

<sc_bundles>
// kernel: _run.5.cloned.1.call-start
scs
__scs_entry_jumppad:
0x0: {  	(pc) =	sbr.rel $0x88, $3  }
0x1: {  	(tag) =	ssettag $0x0;
	lr =	simm.s32 $0x1  }
0x2: {  	[smem:$0x3F94] =	sst lr;
	_ =	strace $0xD0000000  }
0x3: {  	_ = 	snop  }
0x4: {  	_ = 	snop  }
0x5: {  	_ = 	snop  }
0x6: {  	_ = 	snop  }
0x7: {  	_ = 	snop  }
__scs_overlays_trampoline_lowered:
0x8: {  	[smem:$0x3FA3] =	sst s0  }
0x9: {  	[smem:$0x3FA4] =	sst s1  }
0xa: {  	[smem:$0x3FA5] =	sst s2  }
0xb: {  	[smem:$0x3FA6] =	sst s3  }
0xc: {  	[smem:$0x3FA7] =	sst s4  }
0xd: {  	[smem:$0x3FA8] =	sst s5  }
0xe: {  	[smem:$0x3FA9] =	sst s6  }
0xf: {  	[smem:$0x3FAA] =	sst s7  }
0x10: {  	[smem:$0x3FAB] =	sst s8  }
0x11: {  	[smem:$0x3FAC] =	sst s9;
	s0 =	simm.s32 @!p0 $0x0  }
0x12: {  	s1 =	sld [smem:$0x3F92];
	s0 =	simm.s32 @p0 $0x1  }
0x13: {  	[smem:$0x3FAD] =	sst s0;
	s0 =	simm.s32 @!p1 $0x0  }
0x14: {  	s2 =	sld [smem:$0x3F91];
	s0 =	simm.s32 @p1 $0x1  }
0x15: {  	[smem:$0x3FAE] =	sst s0;
	s0 =	simm.s32 @!p2 $0x0  }
0x16: {  	s3 =	sld [smem:$0x3FDB];
	s0 =	simm.s32 @p2 $0x1  }
0x17: {  	s4 =	simm.s32 $0x1BF5;
	[smem:$0x3FB0] =	sst s0  }
0x18: {  	s0 =	sld [smem:$0x3F93];
	_ =	swait.ge [sflag:s4], $0x0  }
0x19: {  	s7 =	sld [smem:$0x3F94]  }
0x1a: {  	s8 =	sadd.s32 $0xFFFFE003, lr  }
0x1b: {  	s9 =	sadd.s32 $0xFFFFFEF7, lr;
	s5 =	simm.s32 $0xFFFFFFFF;
	p2 =	slt.u32 s8, $0xFFFFF086  }
0x1c: {  	p1 =	slt.u32 s9, $0xF7A;
	s5 =	simm.s32 @!p2 $0x0  }
0x1d: {  	s5 =	simm.s32 @p1 $0x1;
	p0 =	seq.s32 s7, s2  }
0x1e: {  	s7 =	smul.u32 @!p0 $0xF7A, s2;
	p2 =	seq.s32 @!p0 s5, $0x0  }
0x1f: {  	s9 =	smul.u32 $0xF7A, s1;
	s8 =	simm.s32 @!p0 $0x1BF5;
	p2 =	por !p2, p0  }
0x20: {  	[sflag:s8] =	ssyncset.s32 @!p0 $0xFFFFF086;
	s6 =	sadd.s32 @!p0 s3, s7;
	s7 =	simm.s32 @!p0 $0x108  }
0x21: {  	s3 =	sadd.s32 s3, s9;
	s6 =	sadd.s32 @!p0 $0x88, s6;
	s7 =	simm.s32 @p2 $0x1082  }
0x22: {  	[simem:s7], [sflag:s8] =	dma.local @!p0 [hbm:s6], $0xF7A  }
0x23: {  	s9 =	sor.u32 $0xD0000000, s2;
	s6 =	simm.s32 $0x108;
	_ =	swait.ge @!p0 [sflag:s8], $0x0  }
0x24: {  	s3 =	sadd.s32 $0x88, s3;
	s6 =	simm.s32 @!p1 $0x1082;
	[sflag:s4] =	ssyncset.s32 $0xFFFFF086  }
0x25: {  	[simem:s6], [sflag:s4] =	dma.local [hbm:s3], $0xF7A  }
0x26: {  	[smem:$0x3F94] =	sst s1;
	(tag) =	ssettag s2;
	_ =	strace s9  }
0x27: {  	s1 =	sld [smem:$0x3FA4]  }
0x28: {  	s2 =	sld [smem:$0x3FA5]  }
0x29: {  	s4 =	sld [smem:$0x3FA7]  }
0x2a: {  	p0 =	seq.s32 s5, $0x0;
	s5 =	sld [smem:$0x3FA8]  }
0x2b: {  	s6 =	sld [smem:$0x3FA9]  }
0x2c: {  	s7 =	sld [smem:$0x3FAA]  }
0x2d: {  	s3 =	simm.s32 $0x108;
	s8 =	sld [smem:$0x3FAB]  }
0x2e: {  	s3 =	simm.s32 @!p0 $0x1082;
	s9 =	sld [smem:$0x3FAC]  }
0x2f: {  	lr =	sadd.s32 s0, s3;
	s0 =	sld [smem:$0x3FA3]  }
0x30: {  	s3 =	sld [smem:$0x3FA6]  }
0x31: {  	[smem:$0x3FAF] =	sst s10  }
0x32: {  	s10 =	sld [smem:$0x3FAD];
	_ =	sdelay $0x3  }
0x33: {  	p0 =	seq.s32 s10, $0x1;
	s10 =	sld [smem:$0x3FAF];
	_ =	sdelay $0x3  }
0x34: {  	[smem:$0x3FAF] =	sst s10  }
0x35: {  	s10 =	sld [smem:$0x3FAE];
	_ =	sdelay $0x3  }
0x36: {  	p1 =	seq.s32 s10, $0x1;
	s10 =	sld [smem:$0x3FAF];
	_ =	sdelay $0x3  }
0x37: {  	[smem:$0x3FAF] =	sst s10  }
0x38: {  	s10 =	sld [smem:$0x3FB0]  }
0x39: {  	_ = 	snop;
	(pc) =	sbr.ind lr, $3  }
0x3a: {  	_ = 	snop  }
0x3b: {  	_ = 	snop  }
0x3c: {  	p2 =	seq.s32 s10, $0x1;
	s10 =	sld [smem:$0x3FAF]  }
0x3d: {  	_ =	shalt  }
0x3e: {  	_ =	shalt  }
0x3f: {  	_ =	shalt  }
0x40: {  	_ =	shalt  }
0x41: {  	_ =	shalt  }
0x42: {  	_ =	shalt  }
0x43: {  	_ =	shalt  }
0x44: {  	_ =	shalt  }
0x45: {  	_ =	shalt  }
0x46: {  	_ =	shalt  }
0x47: {  	_ =	shalt  }
0x48: {  	_ =	shalt  }
0x49: {  	_ =	shalt  }
0x4a: {  	_ =	shalt  }
0x4b: {  	_ =	shalt  }
0x4c: {  	_ =	shalt  }
0x4d: {  	_ =	shalt  }
0x4e: {  	_ =	shalt  }
0x4f: {  	_ =	shalt  }
0x50: {  	_ =	shalt  }
0x51: {  	_ =	shalt  }
0x52: {  	_ =	shalt  }
0x53: {  	_ =	shalt  }
0x54: {  	_ =	shalt  }
0x55: {  	_ =	shalt  }
0x56: {  	_ =	shalt  }
0x57: {  	_ =	shalt  }
0x58: {  	_ =	shalt  }
0x59: {  	_ =	shalt  }
0x5a: {  	_ =	shalt  }
0x5b: {  	_ =	shalt  }
0x5c: {  	_ =	shalt  }
0x5d: {  	_ =	shalt  }
0x5e: {  	_ =	shalt  }
0x5f: {  	_ =	shalt  }
0x60: {  	_ =	shalt  }
0x61: {  	_ =	shalt  }
0x62: {  	_ =	shalt  }
0x63: {  	_ =	shalt  }
0x64: {  	_ =	shalt  }
0x65: {  	_ =	shalt  }
0x66: {  	_ =	shalt  }
0x67: {  	_ =	shalt  }
0x68: {  	_ =	shalt  }
0x69: {  	_ =	shalt  }
0x6a: {  	_ =	shalt  }
0x6b: {  	_ =	shalt  }
0x6c: {  	_ =	shalt  }
0x6d: {  	_ =	shalt  }
0x6e: {  	_ =	shalt  }
0x6f: {  	_ =	shalt  }
0x70: {  	_ =	shalt  }
0x71: {  	_ =	shalt  }
0x72: {  	_ =	shalt  }
0x73: {  	_ =	shalt  }
0x74: {  	_ =	shalt  }
0x75: {  	_ =	shalt  }
0x76: {  	_ =	shalt  }
0x77: {  	_ =	shalt  }
0x78: {  	_ =	shalt  }
0x79: {  	_ =	shalt  }
0x7a: {  	_ =	shalt  }
0x7b: {  	_ =	shalt  }
0x7c: {  	_ =	shalt  }
0x7d: {  	_ =	shalt  }
0x7e: {  	_ =	shalt  }
0x7f: {  	_ =	shalt  }
0x80: {  	_ =	shalt  }
0x81: {  	_ =	shalt  }
0x82: {  	_ =	shalt  }
0x83: {  	_ =	shalt  }
0x84: {  	_ =	shalt  }
0x85: {  	_ =	shalt  }
0x86: {  	_ =	shalt  }
0x87: {  	_ =	shalt  }
.Lfunc_end0:
.L_simem_size_0:
called_computation_lowered:
.L_overlay_start_0:
0x88: {  	s2 =	sld [smem:$0x3FD9]  }
0x89: {  	s3 =	sld [smem:$0x3FFE];
	_ =	sdelay $0x1  }
0x8a: {  	s1 =	srdreg.scid  }
0x8b: {  	s0 =	sand.u32 $0x1, s1  }
0x8c: {  	s17 =	sshll.u32 s0, $0xA;
	s2 =	sadd.s32 s3, s2  }
0x8d: {  	s2 =	sadd.s32 s2, s17  }
0x8e: {  	[smem:$0x3FBB] =	sst s2  }
0x8f: {  	_ = 	snop  }
0x90: {  	s2 =	sld [smem:$0x3FC9]  }
0x91: {  	s18 =	sld [smem:$0x3FD0];
	(tm) =	ssettm $0x1  }
0x92: {  	s4 =	sld [smem:$0x3FFB];
	_ =	sdelay $0x3  }
0x93: {  	_ =	strace s4  }
0x94: {  	s4 =	sld [smem:$0x3FFC];
	_ =	sdelay $0x3  }
0x95: {  	_ =	strace s4  }
0x96: {  	s4 =	sld [smem:$0x3FFD];
	_ =	sdelay $0x3  }
0x97: {  	_ =	strace s4  }
0x98: {  	_ =	strace $0x8FFFFFFF  }
0x99: {  	s19 =	sld [smem:$0x3FDB];
	_ =	sdelay $0x1  }
0x9a: {  	s5 =	simm.s32 $_scs_section_size  }
0x9b: {  	s6 =	simm.s32 $_size__tile_overlayer_lowered;
	s7 =	simm.s32 $_tile_overlayer_lowered  }
0x9c: {  	s22 =	simm.s32 $0x1BFF;
	s21 =	sshll.u32 s7, $0x1;
	s4 =	sadd.s32 s5, s19  }
0x9d: {  	s8 =	simm.s32 $0x0;
	s20 =	sshll.u32 s6, $0x1;
	s6 =	sadd.s32 s21, s4  }
0x9e: {  	[timem:s8], [sflag:s22] =	dma.local [hbm:s6], s20  }
0x9f: {  	_ =	swait.ge [sflag:s22], s20  }
0xa0: {  	s5 =	ssub.s32 $0x0, s20;
	[sflag:s22] =	ssyncset.done $0x0  }
0xa1: {  	[sflag:s22] =	ssyncadd.s32 s5;
	_ =	sdelay $0x1  }
0xa2: {  	s23 =	simm.s32 $0x1B8B  }
0xa3: {  	_ =	swait.ge [sflag:s23], $0x1  }
0xa4: {  	[sflag:s23] =	ssyncset.done $0x0  }
0xa5: {  	s25 =	simm.s32 $0x1B8E;
	s24 =	sld [smem:$0x3FFE];
	[sflag:s23] =	ssyncadd.s32 $0xFFFFFFFF  }
0xa6: {  	s26 =	simm.s32 $execute0_lowered;
	[smem:$0x3FD2] =	sst s25  }
0xa7: {  	s6 =	sshll.u32 s26, $0x1;
	_ =	strace $0x80000046;
	[dreg:$0x1] =	wrdreg $0xFFFFFFFF  }
0xa8: {  	s28 =	simm.s32 $_size_execute0_lowered;
	s4 =	sadd.s32 s4, s6;
	[dreg:$0x0] =	wrdreg $0x0  }
0xa9: {  	s6 =	sshll.u32 s28, $0x1;
	[dreg:$0x2] =	wrdreg s4  }
0xaa: {  	[dreg:$0x3] =	wrdreg s6  }
0xab: {  	[dreg:$0x4] =	wrdreg $0xC0  }
0xac: {  	_ =	task [dreg:s8], $0x5FFFF  }
0xad: {  	[dreg:$0x1] =	wrdreg $0xFFFFFFFF  }
0xae: {  	[dreg:$0x0] =	wrdreg $0x60  }
0xaf: {  	[dreg:$0x2] =	wrdreg s2  }
0xb0: {  	[dreg:$0x3] =	wrdreg s24  }
0xb1: {  	[dreg:$0x4] =	wrdreg s18  }
0xb2: {  	[dreg:$0x5] =	wrdreg $0x159700  }
0xb3: {  	[dreg:$0x6] =	wrdreg $0x9  }
0xb4: {  	_ =	task.clear_ibuf [dreg:s8], $0x7FFFF;
	_ =	strace $0x90000046  }
0xb5: {  	s29 =	simm.s32 $0x9;
	_ =	strace $0x80000048  }
0xb6: {  	_ =	swait.ge [sflag:s29], $0x1  }
0xb7: {  	[sflag:s29] =	ssyncadd.s32 $0xFFFFFFFF  }
0xb8: {  	_ =	strace $0x90000048  }
0xb9: {  	_ =	sfence  }
0xba: {  	s30 =	sld [smem:$0x0];
	_ =	sdelay $0x2  }
0xbb: {  	s31 =	sshll.u32 s1, $0xD;
	s1 =	sshrl.u32 s1, $0x2  }
0xbc: {  	s3 =	sand.u32 $0x4000, s31;
	s1 =	sadd.s32 s1, s30  }
0xbd: {  	s0 =	sor.u32 s3, s0;
	s1 =	sshll.u32 s1, $0x11  }
0xbe: {  	s0 =	sor.u32 s1, s0  }
0xbf: {  	s0 =	sadd.s32 $0x8F2B, s0  }
0xc0: {  	[sflag:s0] =	ssyncadd.remote.s32 $0x1  }
0xc1: {  	_ =	sfence.sel $0xFFFF  }
0xc2: {  	[dreg:$0x0] =	wrdreg $0xFFFFFFFF;
	(pc) =	sbr.abs _section_cstart, $3  }
0xc3: {  	[dreg:$0x1] =	wrdreg $0xFFFFFFFF  }
0xc4: {  	_ =	task.clear_ibuf [dreg:s8], $0x2FFFF;
	_ =	strace $0x9FFFFFFF  }
0xc5: {  	(tm) =	ssettm $0x7FFFFFFF  }
tec
execute0_lowered:
.L_overlay_start_1:
0x0: {  	(tag) =	ssettag $0x1  }
0x1: {  	s0 =	rddreg [dreg:$0x1]  }
0x2: {  	s1 =	rddreg [dreg:$0x2]  }
0x3: {  	s8 =	stileid.u32;
	s2 =	srdreg.scid  }
0x4: {  	s3 =	rddreg [dreg:$0x3];
	s4 =	simm.s32 $0x0;
	s18 =	simm.s32 $0x11170  }
0x5: {  	s19 =	simm.s32 $0x1;
	s28 =	simm.s32 $0x12570;
	s29 =	simm.s32 $0x2  }
0x6: {  	s30 =	simm.s32 $0x3;
	s31 =	simm.s32 $0xC3F0;
	s5 =	smul.u32 $0x9C4, s8  }
0x7: {  	s2 =	sand.u32 $0x1, s2;
	[smem:$0x7FF] =	sst s4;
	s12 =	smul.u32 $0xA000, s8  }
0x8: {  	s6 =	smul.u32 $0x14000, s2;
	s7 =	ssub.s32 $0x2, s2;
	_ =	strace $0x80000047  }
0x9: {  	s2 =	sshll.u32 s2, $0xC;
	s10 =	sadd.s32 s5, s0;
	s24 =	sshrl.u32 s7, $0x1  }
0xa: {  	s14 =	sadd.s32 $0x2000, s12;
	s5 =	sadd.s32 s12, s3;
	s15 =	sadd.s32 $0x4000, s12  }
0xb: {  	s16 =	sadd.s32 $0x6000, s12;
	s17 =	sadd.s32 $0x8000, s12;
	s11 =	sadd.s32 s1, s2  }
0xc: {  	s25 =	sshrl.u32 s12, $0x3;
	s2 =	simm.s32 $0x7580;
	s1 =	simm.s32 $0x0  }
0xd: {  	s0 =	sadd.s32 s6, s0;
	s13 =	ssub.s32 s7, s24;
	s6 =	sadd.s32 s14, s3  }
0xe: {  	s7 =	sadd.s32 s15, s3;
	s8 =	sadd.s32 s16, s3;
	s9 =	sadd.s32 s17, s3  }
0xf: {  	s10 =	sadd.s32 $0x2000, s10;
	s26 =	sshrl.u32 s14, $0x3;
	s15 =	sshrl.u32 s15, $0x3  }
.Ltmp0:
0x10: {  	s23 =	sshrl.u32 s16, $0x3;
	s17 =	sshrl.u32 s17, $0x3;
	(pc) =	sbr.rel .LBB2_1-.Ltmp0, $4  }
0x11: {  	s14 =	simm.s32 $0x5;
	s16 =	simm.s32 $0x50;
	s0 =	sadd.s32 $0xBE00, s0  }
0x12: {  	s12 =	smax.u32 s13, $0x1;
	s13 =	simm.s32 $0x13970;
	s20 =	sadd.s32 s25, s0  }
0x13: {  	s21 =	sadd.s32 s26, s0;
	s22 =	sadd.s32 s15, s0;
	s23 =	sadd.s32 s23, s0  }
0x14: {  	v0 =	vimm.f32 $0.0e+00;
	s24 =	sadd.s32 s17, s0;
	s26 =	simm.s32 $0xC3A0;
	s0 =	simm.s32 $0x4  }
.LBB2_8:
0x15: {  	[spmem:s3] =	stream.indirect.scatter.add.f32 [tilespmem:s28], [sflag:$0x4], $0x40, s25, s16, $0xb8;
	[tilespmem:$0x1F970] =	vst v63  }
0x16: {  	_ =	swait.ge [sflag:s0], $0x1400  }
0x17: {  	[sflag:s0] =	ssyncset.done $0x0  }
0x18: {  	[sflag:s0] =	ssyncadd.s32 $0xFFFFEC00  }
0x19: {  	[bflag:$0x0] =	sbarrier.arrive $0xFFFF  }
0x1a: {  	[tilespmem:s13], [sflag:$0x5] =	stream.linear.gather [spmem:s5], $0x2000, $0x38;
	[tilespmem:$0x1F970] =	vst v63  }
0x1b: {  	_ =	swait.ge [sflag:s14], $0x2000  }
0x1c: {  	[sflag:s14] =	ssyncset.done $0x0  }
0x1d: {  	[sflag:s14] =	ssyncadd.s32 $0xFFFFE000  }
0x1e: {  	[hbm4b:s20+s4] =	stream.linear.scatter [tilespmem:s13], [sflag:$0x5], $0x2000, $0x38;
	[tilespmem:$0x1F970] =	vst v63  }
0x1f: {  	_ =	swait.ge [sflag:s14], $0x2000  }
0x20: {  	[sflag:s14] =	ssyncset.done $0x0  }
0x21: {  	[sflag:s14] =	ssyncadd.s32 $0xFFFFE000  }
0x22: {  	[tilespmem:s13], [sflag:$0x5] =	stream.linear.gather [spmem:s6], $0x2000, $0x38;
	[tilespmem:$0x1F970] =	vst v63  }
0x23: {  	_ =	swait.ge [sflag:s14], $0x2000  }
0x24: {  	[sflag:s14] =	ssyncset.done $0x0  }
0x25: {  	[sflag:s14] =	ssyncadd.s32 $0xFFFFE000  }
0x26: {  	[hbm4b:s21+s4] =	stream.linear.scatter [tilespmem:s13], [sflag:$0x5], $0x2000, $0x38;
	[tilespmem:$0x1F970] =	vst v63  }
0x27: {  	_ =	swait.ge [sflag:s14], $0x2000  }
0x28: {  	[sflag:s14] =	ssyncset.done $0x0  }
0x29: {  	[sflag:s14] =	ssyncadd.s32 $0xFFFFE000  }
0x2a: {  	[tilespmem:s13], [sflag:$0x5] =	stream.linear.gather [spmem:s7], $0x2000, $0x38;
	[tilespmem:$0x1F970] =	vst v63  }
0x2b: {  	_ =	swait.ge [sflag:s14], $0x2000  }
0x2c: {  	[sflag:s14] =	ssyncset.done $0x0  }
0x2d: {  	[sflag:s14] =	ssyncadd.s32 $0xFFFFE000  }
0x2e: {  	[hbm4b:s22+s4] =	stream.linear.scatter [tilespmem:s13], [sflag:$0x5], $0x2000, $0x38;
	[tilespmem:$0x1F970] =	vst v63  }
0x2f: {  	_ =	swait.ge [sflag:s14], $0x2000  }
0x30: {  	[sflag:s14] =	ssyncset.done $0x0  }
0x31: {  	[sflag:s14] =	ssyncadd.s32 $0xFFFFE000  }
0x32: {  	[tilespmem:s13], [sflag:$0x5] =	stream.linear.gather [spmem:s8], $0x2000, $0x38;
	[tilespmem:$0x1F970] =	vst v63  }
0x33: {  	_ =	swait.ge [sflag:s14], $0x2000  }
0x34: {  	[sflag:s14] =	ssyncset.done $0x0  }
0x35: {  	[sflag:s14] =	ssyncadd.s32 $0xFFFFE000  }
0x36: {  	[hbm4b:s23+s4] =	stream.linear.scatter [tilespmem:s13], [sflag:$0x5], $0x2000, $0x38;
	[tilespmem:$0x1F970] =	vst v63  }
0x37: {  	_ =	swait.ge [sflag:s14], $0x2000  }
0x38: {  	[sflag:s14] =	ssyncset.done $0x0  }
0x39: {  	[sflag:s14] =	ssyncadd.s32 $0xFFFFE000  }
0x3a: {  	[tilespmem:s13], [sflag:$0x5] =	stream.linear.gather [spmem:s9], $0x2000, $0x38;
	[tilespmem:$0x1F970] =	vst v63  }
0x3b: {  	s1 =	sadd.s32 $0x1, s1;
	_ =	swait.ge [sflag:s14], $0x2000  }
0x3c: {  	p0 =	sne.s32 s1, s12;
	[sflag:s14] =	ssyncset.done $0x0  }
.Ltmp1:
0x3d: {  	[sflag:s14] =	ssyncadd.s32 $0xFFFFE000;
	(pc) =	sbr.rel @!p0 .LBB2_9-.Ltmp1, $4  }
0x3e: {  	[hbm4b:s24+s4] =	stream.linear.scatter [tilespmem:s13], [sflag:$0x5], $0x2000, $0x38;
	[tilespmem:$0x1F970] =	vst v63  }
0x3f: {  	_ =	swait.ge [sflag:s14], $0x2000  }
0x40: {  	[sflag:s14] =	ssyncset.done $0x0  }
0x41: {  	[sflag:s14] =	ssyncadd.s32 $0xFFFFE000  }
.LBB2_1:
0x42: {  	s17 =	simm.s32 $0x100;
	s15 =	simm.s32 $0x0  }
.LBB2_2:
0x43: {  	p0 =	sne.s32 s17, $0x7F00;
	[tilespmem:s15+$0x139A0] =	vst v0;
	s25 =	smov.u32 s17;
	s17 =	sadd.s32 $0x100, s17  }
.Ltmp2:
0x44: {  	[tilespmem:s15+$0x13990] =	vst v0;
	(pc) =	sbr.rel @p0 .LBB2_2-.Ltmp2, $3  }
0x45: {  	[tilespmem:s15+$0x13970] =	vst v0  }
0x46: {  	[tilespmem:s15+$0x13980] =	vst v0;
	_ =	sdelay $0x1  }
0x47: {  	s15 =	sshra.s32 s25, $0x2  }
0x48: {  	[tilespmem:s15+$0x139A0] =	vst v0  }
0x49: {  	[tilespmem:s15+$0x13990] =	vst v0  }
0x4a: {  	[tilespmem:s15+$0x13970] =	vst v0  }
0x4b: {  	[tilespmem:s15+$0x13980] =	vst v0  }
0x4c: {  	[spmem:s5] =	stream.linear.scatter [tilespmem:s13], [sflag:$0x5], $0x2000, $0x38;
	[tilespmem:$0x1F970] =	vst v63  }
0x4d: {  	_ =	swait.ge [sflag:s14], $0x2000  }
0x4e: {  	[sflag:s14] =	ssyncset.done $0x0  }
0x4f: {  	[sflag:s14] =	ssyncadd.s32 $0xFFFFE000  }
0x50: {  	[spmem:s6] =	stream.linear.scatter [tilespmem:s13], [sflag:$0x5], $0x2000, $0x38;
	[tilespmem:$0x1F970] =	vst v63  }
0x51: {  	_ =	swait.ge [sflag:s14], $0x2000  }
0x52: {  	[sflag:s14] =	ssyncset.done $0x0  }
0x53: {  	[sflag:s14] =	ssyncadd.s32 $0xFFFFE000  }
0x54: {  	[spmem:s7] =	stream.linear.scatter [tilespmem:s13], [sflag:$0x5], $0x2000, $0x38;
	[tilespmem:$0x1F970] =	vst v63  }
0x55: {  	_ =	swait.ge [sflag:s14], $0x2000  }
0x56: {  	[sflag:s14] =	ssyncset.done $0x0  }
0x57: {  	[sflag:s14] =	ssyncadd.s32 $0xFFFFE000  }
0x58: {  	[spmem:s8] =	stream.linear.scatter [tilespmem:s13], [sflag:$0x5], $0x2000, $0x38;
	[tilespmem:$0x1F970] =	vst v63  }
0x59: {  	_ =	swait.ge [sflag:s14], $0x2000  }
0x5a: {  	[sflag:s14] =	ssyncset.done $0x0  }
0x5b: {  	[sflag:s14] =	ssyncadd.s32 $0xFFFFE000  }
0x5c: {  	[spmem:s9] =	stream.linear.scatter [tilespmem:s13], [sflag:$0x5], $0x2000, $0x38;
	[tilespmem:$0x1F970] =	vst v63  }
0x5d: {  	_ =	swait.ge [sflag:s14], $0x2000  }
0x5e: {  	[sflag:s14] =	ssyncset.done $0x0  }
0x5f: {  	[sflag:s14] =	ssyncadd.s32 $0xFFFFE000  }
0x60: {  	[bflag:$0x0] =	sbarrier.arrive $0xFFFF  }
0x61: {  	s15 =	simm.s32 $0x0;
	s17 =	rddreg [dreg:$0x0]  }
0x62: {  	[tilespmem:s15], [sflag:$0x5] =	stream.linear.gather [hbm4b:s17+s15], $0x2710, $0x38;
	[tilespmem:$0x1F970] =	vst v63  }
0x63: {  	_ =	swait.ge [sflag:s14], $0x2710  }
0x64: {  	[sflag:s14] =	ssyncset.done $0x0  }
0x65: {  	s25 =	simm.s32 $0x2710;
	[sflag:s14] =	ssyncadd.s32 $0xFFFFD8F0  }
0x66: {  	[tilespmem:s25], [sflag:$0x5] =	stream.linear.gather [hbm4b:s10+s15], $0x4E20, $0x38;
	[tilespmem:$0x1F970] =	vst v63  }
0x67: {  	_ =	swait.ge [sflag:s14], $0x4E20  }
0x68: {  	[sflag:s14] =	ssyncset.done $0x0  }
0x69: {  	s15 =	simm.s32 $0x0;
	[sflag:s14] =	ssyncadd.s32 $0xFFFFB1E0  }
0x6a: {  	v1 =	vld [tilespmem:s15+$0x2710];
	_ =	sdelay $0x4  }
0x6b: {  	v2 =	vand.u32 $0xFFFF, v1  }
0x6c: {  	v3 =	vld [tilespmem:s15+$0x2720];
	_ =	sdelay $0x3  }
0x6d: {  	v1 =	vshrl.u32 v1, $0x10;
	v2 =	vld.idx.msk [tilespmem:v2+s4+$0x0], $0xffff  }
0x6e: {  	[tilespmem:s15+$0x7530] =	vst v1;
	v1 =	vand.u32 $0xFFFF, v3  }
0x6f: {  	v4 =	vld [tilespmem:s15+$0x2730];
	_ =	sdelay $0x2  }
0x70: {  	[tilespmem:s15+$0xC350] =	vst v2  }
0x71: {  	v2 =	vld.idx.msk [tilespmem:v1+s4+$0x0], $0xffff  }
0x72: {  	v5 =	vand.u32 $0xFFFF, v4  }
0x73: {  	v1 =	vld [tilespmem:s15+$0x2740]  }
0x74: {  	v3 =	vshrl.u32 v3, $0x10  }
0x75: {  	[tilespmem:s15+$0x7540] =	vst v3  }
0x76: {  	[tilespmem:s15+$0xC360] =	vst v2  }
0x77: {  	v3 =	vld.idx.msk [tilespmem:v5+s4+$0x0], $0xffff  }
0x78: {  	v5 =	vand.u32 $0xFFFF, v1  }
0x79: {  	v2 =	vld [tilespmem:s15+$0x2750]  }
0x7a: {  	v4 =	vshrl.u32 v4, $0x10  }
0x7b: {  	[tilespmem:s15+$0x7550] =	vst v4  }
0x7c: {  	[tilespmem:s15+$0xC370] =	vst v3  }
0x7d: {  	v4 =	vld.idx.msk [tilespmem:v5+s4+$0x0], $0xffff  }
0x7e: {  	v3 =	vand.u32 $0xFFFF, v2  }
0x7f: {  	s17 =	simm.s32 $0x280;
	s25 =	simm.s32 $0x50  }
.LBB2_4:
0x80: {  	p0 =	sne.s32 s17, $0x13740;
	v5 =	vld [tilespmem:s25+$0x2710];
	v1 =	vshrl.u32 v1, $0x10  }
0x81: {  	[tilespmem:s15+$0x7560] =	vst v1  }
0x82: {  	v1 =	vshrl.u32 v2, $0x10;
	[tilespmem:s15+$0xC380] =	vst v4  }
0x83: {  	v2 =	vld.idx.msk [tilespmem:v3+s4+$0x0], $0xffff;
	[tilespmem:s15+$0x7570] =	vst v1;
	_ =	sdelay $0x1  }
0x84: {  	v1 =	vand.u32 $0xFFFF, v5;
	_ =	sdelay $0x1  }
0x85: {  	v3 =	vld [tilespmem:s25+$0x2720];
	_ =	sdelay $0x1  }
0x86: {  	v4 =	vshrl.u32 v5, $0x10;
	[tilespmem:s15+$0xC390] =	vst v2;
	s15 =	smov.u32 s25  }
0x87: {  	v1 =	vld.idx.msk [tilespmem:v1+s4+$0x0], $0xffff;
	[tilespmem:s15+$0x7530] =	vst v4;
	_ =	sdelay $0x1  }
0x88: {  	v2 =	vand.u32 $0xFFFF, v3;
	_ =	sdelay $0x1  }
0x89: {  	v4 =	vld [tilespmem:s15+$0x2730];
	_ =	sdelay $0x1  }
0x8a: {  	[tilespmem:s15+$0xC350] =	vst v1  }
0x8b: {  	v2 =	vld.idx.msk [tilespmem:v2+s4+$0x0], $0xffff;
	_ =	sdelay $0x1  }
0x8c: {  	v5 =	vand.u32 $0xFFFF, v4;
	_ =	sdelay $0x1  }
0x8d: {  	v3 =	vshrl.u32 v3, $0x10;
	v1 =	vld [tilespmem:s15+$0x2740]  }
0x8e: {  	[tilespmem:s15+$0x7540] =	vst v3  }
0x8f: {  	[tilespmem:s15+$0xC360] =	vst v2  }
0x90: {  	v3 =	vld.idx.msk [tilespmem:v5+s4+$0x0], $0xffff;
	_ =	sdelay $0x1  }
0x91: {  	v5 =	vand.u32 $0xFFFF, v1;
	_ =	sdelay $0x1  }
0x92: {  	v4 =	vshrl.u32 v4, $0x10;
	v2 =	vld [tilespmem:s15+$0x2750]  }
0x93: {  	[tilespmem:s15+$0x7550] =	vst v4  }
.Ltmp3:
0x94: {  	[tilespmem:s15+$0xC370] =	vst v3;
	(pc) =	sbr.rel @p0 .LBB2_4-.Ltmp3, $3  }
0x95: {  	v4 =	vld.idx.msk [tilespmem:v5+s4+$0x0], $0xffff;
	_ =	sdelay $0x1  }
0x96: {  	v3 =	vand.u32 $0xFFFF, v2  }
0x97: {  	s25 =	sshra.s32 s17, $0x2;
	s17 =	sadd.s32 $0x140, s17  }
0x98: {  	v5 =	vld [tilespmem:s25+$0x2710]  }
0x99: {  	v1 =	vshrl.u32 v1, $0x10  }
0x9a: {  	[tilespmem:s15+$0x7560] =	vst v1  }
0x9b: {  	[tilespmem:s15+$0xC380] =	vst v4  }
0x9c: {  	v1 =	vshrl.u32 v2, $0x10;
	v2 =	vld.idx.msk [tilespmem:v3+s4+$0x0], $0xffff  }
0x9d: {  	[tilespmem:s15+$0x7570] =	vst v1;
	v1 =	vand.u32 $0xFFFF, v5  }
0x9e: {  	v3 =	vld [tilespmem:s25+$0x2720];
	_ =	sdelay $0x2  }
0x9f: {  	[tilespmem:s15+$0xC390] =	vst v2  }
0xa0: {  	v2 =	vshrl.u32 v5, $0x10;
	v1 =	vld.idx.msk [tilespmem:v1+s4+$0x0], $0xffff  }
0xa1: {  	[tilespmem:s25+$0x7530] =	vst v2;
	v2 =	vand.u32 $0xFFFF, v3  }
0xa2: {  	v4 =	vld [tilespmem:s25+$0x2730];
	_ =	sdelay $0x2  }
0xa3: {  	[tilespmem:s25+$0xC350] =	vst v1  }
0xa4: {  	v1 =	vld.idx.msk [tilespmem:v2+s4+$0x0], $0xffff  }
0xa5: {  	v2 =	vand.u32 $0xFFFF, v4  }
0xa6: {  	v62 =	vld [tilespmem:s25+$0x2740]  }
0xa7: {  	v3 =	vshrl.u32 v3, $0x10  }
0xa8: {  	[tilespmem:s25+$0x7540] =	vst v3  }
0xa9: {  	[tilespmem:s25+$0xC360] =	vst v1  }
0xaa: {  	v1 =	vld.idx.msk [tilespmem:v2+s4+$0x0], $0xffff  }
0xab: {  	v2 =	vand.u32 $0xFFFF, v62  }
0xac: {  	v3 =	vld [tilespmem:s25+$0x2750]  }
0xad: {  	v4 =	vshrl.u32 v4, $0x10  }
0xae: {  	[tilespmem:s25+$0x7550] =	vst v4  }
0xaf: {  	[tilespmem:s25+$0xC370] =	vst v1  }
0xb0: {  	v1 =	vld.idx.msk [tilespmem:v2+s4+$0x0], $0xffff  }
0xb1: {  	v2 =	vand.u32 $0xFFFF, v3;
	_ =	sdelay $0x1  }
0xb2: {  	v63 =	vshrl.u32 v62, $0x10  }
0xb3: {  	[tilespmem:s25+$0x7560] =	vst v63  }
0xb4: {  	[tilespmem:s25+$0xC380] =	vst v1  }
0xb5: {  	v1 =	vld.idx.msk [tilespmem:v2+s4+$0x0], $0xffff;
	_ =	sdelay $0x2  }
0xb6: {  	v2 =	vshrl.u32 v3, $0x10  }
0xb7: {  	[tilespmem:s25+$0x7570] =	vst v2  }
0xb8: {  	s17 =	simm.s32 $0xC350;
	[tilespmem:s25+$0xC390] =	vst v1  }
0xb9: {  	[tilespmem:s18], [sflag:$0x1] =	stream.indirect.gather [hbm4b:s11+s16], $0x40, s17, s16, $0xb8;
	[tilespmem:$0x1F970] =	vst v63  }
0xba: {  	_ =	swait.ge [sflag:s19], $0x1400  }
0xbb: {  	[sflag:s19] =	ssyncset.done $0x0  }
0xbc: {  	s25 =	simm.s32 $0x7530;
	[sflag:s19] =	ssyncadd.s32 $0xFFFFEC00  }
0xbd: {  	[spmem:s3] =	stream.indirect.scatter.add.f32 [tilespmem:s18], [sflag:$0x3], $0x40, s25, s16, $0xb8;
	[tilespmem:$0x1F970] =	vst v63  }
0xbe: {  	_ = 	snop  }
0xbf: {  	[tilespmem:s28], [sflag:$0x2] =	stream.indirect.gather [hbm4b:s11+s16], $0x40, s26, s16, $0xb8;
	[tilespmem:$0x1F970] =	vst v63  }
0xc0: {  	_ =	swait.ge [sflag:s29], $0x1400  }
0xc1: {  	[sflag:s29] =	ssyncset.done $0x0  }
0xc2: {  	[sflag:s29] =	ssyncadd.s32 $0xFFFFEC00  }
0xc3: {  	_ =	swait.ge [sflag:s30], $0x1400  }
0xc4: {  	[sflag:s30] =	ssyncset.done $0x0  }
0xc5: {  	[sflag:s30] =	ssyncadd.s32 $0xFFFFEC00  }
0xc6: {  	[tilespmem:s18], [sflag:$0x1] =	stream.indirect.gather [hbm4b:s11+s16], $0x40, s31, s16, $0xb8;
	[tilespmem:$0x1F970] =	vst v63  }
0xc7: {  	s15 =	simm.s32 $0xFFFECC80  }
0xc8: {  	[spmem:s3] =	stream.indirect.scatter.add.f32 [tilespmem:s28], [sflag:$0x4], $0x40, s2, s16, $0xb8;
	[tilespmem:$0x1F970] =	vst v63  }
.LBB2_6:
0xc9: {  	_ =	swait.ge [sflag:s19], $0x1400  }
0xca: {  	[sflag:s19] =	ssyncset.done $0x0  }
0xcb: {  	[sflag:s19] =	ssyncadd.s32 $0xFFFFEC00  }
0xcc: {  	_ =	swait.ge [sflag:s0], $0x1400  }
0xcd: {  	s17 =	sshra.s32 s15, $0x2;
	[sflag:s0] =	ssyncset.done $0x0  }
0xce: {  	s25 =	sadd.s32 $0xC2B0, s17;
	[sflag:s0] =	ssyncadd.s32 $0xFFFFEC00  }
0xcf: {  	[spmem:s3] =	stream.indirect.scatter.add.f32 [tilespmem:s18], [sflag:$0x3], $0x40, s25, s16, $0xb8;
	[tilespmem:$0x1F970] =	vst v63  }
0xd0: {  	s25 =	sadd.s32 $0x11120, s17  }
0xd1: {  	[tilespmem:s28], [sflag:$0x2] =	stream.indirect.gather [hbm4b:s11+s16], $0x40, s25, s16, $0xb8;
	[tilespmem:$0x1F970] =	vst v63  }
0xd2: {  	p0 =	seq.s32 s15, $0x0;
	_ =	swait.ge [sflag:s29], $0x1400  }
.Ltmp4:
0xd3: {  	[sflag:s29] =	ssyncset.done $0x0;
	(pc) =	sbr.rel @p0 .LBB2_8-.Ltmp4, $4  }
0xd4: {  	[sflag:s29] =	ssyncadd.s32 $0xFFFFEC00  }
0xd5: {  	_ =	swait.ge [sflag:s30], $0x1400  }
0xd6: {  	[sflag:s30] =	ssyncset.done $0x0  }
0xd7: {  	s25 =	sadd.s32 $0xC300, s17;
	[sflag:s30] =	ssyncadd.s32 $0xFFFFEC00  }
.Ltmp5:
0xd8: {  	(pc) =	sbr.rel .LBB2_6-.Ltmp5, $4  }
0xd9: {  	s17 =	sadd.s32 $0x11170, s17  }
0xda: {  	[tilespmem:s18], [sflag:$0x1] =	stream.indirect.gather [hbm4b:s11+s16], $0x40, s17, s16, $0xb8;
	[tilespmem:$0x1F970] =	vst v63  }
0xdb: {  	s15 =	sadd.s32 $0x280, s15  }
0xdc: {  	[spmem:s3] =	stream.indirect.scatter.add.f32 [tilespmem:s28], [sflag:$0x4], $0x40, s25, s16, $0xb8;
	[tilespmem:$0x1F970] =	vst v63  }
.LBB2_9:
0xdd: {  	_ =	sfence.sel $0x180000  }
0xde: {  	[bflag:$0x0] =	sbarrier.arrive $0xFFFF  }
0xdf: {  	_ =	strace $0x90000047  }
0xe0: {  	s0 =	stileid.u32;
	[bflag:$0x2] =	sbarrier.arrive $0xFFFF  }
0xe1: {  	p0 =	sne.s32 s0, $0x0;
	s0 =	rddreg [dreg:$0x4]  }
0xe2: {  	s0 =	sadd.s32 @!p0 $0x100000, s0  }
0xe3: {  	[sflag:s0] =	ssyncadd.tile.s32 @!p0 $0x1;
	_ =	shalt  }
.Lfunc_end2:
_tile_overlayer_lowered:
.L_overlay_start_2:
0xe4: {  	(tag) =	ssettag $0x2  }
0xe5: {  	s0 =	rddreg [dreg:$0x0];
	s2 =	stileid.u32  }
0xe6: {  	s1 =	rddreg [dreg:$0x1];
	p0 =	sne.s32 s2, $0x0  }
0xe7: {  	s3 =	rddreg [dreg:$0x2];
	[bflag:$0x3] =	sbarrier.arrive $0xFFFF;
	s2 =	simm.s32 @!p0 $0x1C05  }
0xe8: {  	[timem:s3], [sflag:s2] =	dma.local @!p0 [hbm:s0], s1  }
0xe9: {  	s0 =	simm.s32 @!p0 $0x5  }
0xea: {  	_ =	swait.ge @!p0 [sflag:s0], s1  }
0xeb: {  	s1 =	ssub.s32 @!p0 $0x0, s1;
	[sflag:s0] =	ssyncset.done @!p0 $0x0  }
0xec: {  	[sflag:s0] =	ssyncadd.s32 @!p0 s1  }
0xed: {  	[bflag:$0x3] =	sbarrier.arrive $0xFFFF  }
0xee: {  	_ =	shalt  }

</sc_bundles>
